<compile_context>
chip_gen: v7x
topology: tpu7x:2x2x1
jax: 0.10.2.dev20260603
libtpu: 0.0.44.dev20260713+nightly
codegen_flags: <defaults>
</compile_context>

<pallas_src>
import jax
import jax.numpy as jnp
from jax import lax
from jax.experimental import pallas as pl
from jax.experimental.pallas import tpu as pltpu
from jax.experimental.pallas import tpu_sc as plsc

B = 32
H = 56
W = 56
NCH = 3
VOC = 1024
D = 128
RCH = 2
PCH = RCH * W
NCHUNK = H // RCH


def _sc_body(in_hbm, emb_hbm, out_hbm, pl0, pl1, pl2, *rest):
    oixs = rest[:6]
    st0, st1, gsm0, gsm1, osm0, osm1 = rest[6:]
    cid = lax.axis_index("c")
    sid = lax.axis_index("s")
    b = sid * 2 + cid
    planes = (pl0, pl1, pl2)

    for c in range(NCH):
        pltpu.sync_copy(in_hbm.at[b, c], planes[c])

    def prep_and_gather(it, ph, stage, gsm):
        h0 = (it * 2 + ph) * RCH
        for c in range(NCH):
            oix = oixs[ph * NCH + c]
            for r in range(RCH):
                for w0 in (0, 16, 32, 40):
                    iv = planes[c][h0 + r, pl.ds(w0, 16)]
                    oix[pl.ds(r * W + w0, 16)] = iv + c * VOC
        for c in range(NCH):
            pltpu.async_copy(
                emb_hbm.at[oixs[ph * NCH + c]],
                stage.at[:, pl.ds(c * D, D)],
                gsm)

    def wait_gathers(ph, stage, gsm):
        for c in range(NCH):
            pltpu.make_async_copy(
                emb_hbm.at[oixs[ph * NCH + c]],
                stage.at[:, pl.ds(c * D, D)],
                gsm).wait()

    def out_dst(chunk):
        return out_hbm.at[b, pl.ds(chunk * PCH, PCH)]

    def pair_body(it, carry):
        @pl.when(it > 0)
        def _drain_prev_odd():
            wait_gathers(1, st1, gsm1)
            pltpu.async_copy(st1, out_dst(it * 2 - 1), osm1)
            pltpu.make_async_copy(st0, out_dst(0), osm0).wait()

        prep_and_gather(it, 0, st0, gsm0)

        wait_gathers(0, st0, gsm0)
        pltpu.async_copy(st0, out_dst(it * 2), osm0)

        @pl.when(it > 0)
        def _wait_old_odd_out():
            pltpu.make_async_copy(st1, out_dst(0), osm1).wait()

        prep_and_gather(it, 1, st1, gsm1)
        return carry

    lax.fori_loop(0, NCHUNK // 2, pair_body, 0)

    wait_gathers(1, st1, gsm1)
    pltpu.async_copy(st1, out_dst(NCHUNK - 1), osm1)
    pltpu.make_async_copy(st0, out_dst(0), osm0).wait()
    pltpu.make_async_copy(st1, out_dst(0), osm1).wait()


@jax.jit
def _sc_call(in_t, embedding):
    mesh = plsc.VectorSubcoreMesh(core_axis_name="c", subcore_axis_name="s")
    f = pl.kernel(
        _sc_body,
        out_type=jax.ShapeDtypeStruct((B, H * W, NCH * D), jnp.float32),
        mesh=mesh,
        scratch_types=[
            pltpu.VMEM((H, W), jnp.int32),
            pltpu.VMEM((H, W), jnp.int32),
            pltpu.VMEM((H, W), jnp.int32),
        ] + [pltpu.VMEM((PCH,), jnp.int32)] * 6 + [
            pltpu.VMEM((PCH, NCH * D), jnp.float32),
            pltpu.VMEM((PCH, NCH * D), jnp.float32),
            pltpu.SemaphoreType.DMA,
            pltpu.SemaphoreType.DMA,
            pltpu.SemaphoreType.DMA,
            pltpu.SemaphoreType.DMA,
        ],
        compiler_params=pltpu.CompilerParams(needs_layout_passes=False),
    )
    return f(in_t, embedding)


def kernel(inputs, embedding):
    in_t = jnp.transpose(inputs, (0, 3, 1, 2))
    out = _sc_call(in_t, embedding)
    out4 = out.reshape(B, H, W, NCH * D)
    return jnp.transpose(out4, (0, 3, 1, 2))

# --- scband reference (transcript-rebuilt; emitter-appended) ---
"""Pipeline reference for scband-image-bowembedding-57208964382925 (READ-ONLY COPY).

The authoritative reference and input builder live on the scoring server;
editing this copy changes nothing except your own understanding.
"""

import jax, jax.numpy as jnp
import numpy as np

MAX_VALUE = 1024
N_CHANNELS = 3
EMBEDDING_DIM = 128

def setup_inputs(seed: int = 0) -> dict:
    key = jax.random.key(seed)
    k1, k2 = jax.random.split(key)
    inputs = jax.random.randint(k1, (32, 56, 56, N_CHANNELS), 0, MAX_VALUE, dtype=jnp.int64 if jax.config.jax_enable_x64 else jnp.int32).astype(jnp.int32)
    embedding = jax.random.normal(k2, (N_CHANNELS * MAX_VALUE, EMBEDDING_DIM), dtype=jnp.float32)
    return {"inputs": inputs, "embedding": embedding}

def reference(inputs, embedding):
    offsets = jnp.arange(N_CHANNELS, dtype=jnp.int32) * MAX_VALUE
    offsetted = (inputs + offsets[None, None, None, :]).astype(jnp.int32)
    each_embedding = jnp.take(embedding, offsetted, axis=0)  # [B, H, W, C, D]
    B, H, W = each_embedding.shape[0], each_embedding.shape[1], each_embedding.shape[2]
    each_embedding_flat = each_embedding.reshape(B, H, W, -1)  # [B, H, W, C*D]
    return jnp.transpose(each_embedding_flat, (0, 3, 1, 2))  # [B, C*D, H, W]

if __name__ == "__main__":
    import jax
    _d = setup_inputs()
    print(jax.jit(kernel)(*tuple(_d.values())))

</pallas_src>

<mosaic_0001>
#map = affine_map<(d0, d1) -> (0, 0, 0, 0)>
#map1 = affine_map<(d0, d1) -> (0, 0)>
#map2 = affine_map<(d0, d1) -> (0, 0, 0)>
module attributes {stable_mosaic.version = 14 : i64} {
  func.func @_sc_body(%arg0: i32, %arg1: i32, %arg2: memref<32x3x56x56xi32, #tpu.memory_space<hbm>>, %arg3: memref<3072x128xf32, #tpu.memory_space<hbm>>, %arg4: memref<32x3136x384xf32, #tpu.memory_space<hbm>>, %arg5: memref<56x56xi32, #tpu.memory_space<vmem>>, %arg6: memref<56x56xi32, #tpu.memory_space<vmem>>, %arg7: memref<56x56xi32, #tpu.memory_space<vmem>>, %arg8: memref<112xi32, #tpu.memory_space<vmem>>, %arg9: memref<112xi32, #tpu.memory_space<vmem>>, %arg10: memref<112xi32, #tpu.memory_space<vmem>>, %arg11: memref<112xi32, #tpu.memory_space<vmem>>, %arg12: memref<112xi32, #tpu.memory_space<vmem>>, %arg13: memref<112xi32, #tpu.memory_space<vmem>>, %arg14: memref<112x384xf32, #tpu.memory_space<vmem>>, %arg15: memref<112x384xf32, #tpu.memory_space<vmem>>, %arg16: memref<!tpu.dma_semaphore, #tpu.memory_space<semaphore_mem>>, %arg17: memref<!tpu.dma_semaphore, #tpu.memory_space<semaphore_mem>>, %arg18: memref<!tpu.dma_semaphore, #tpu.memory_space<semaphore_mem>>, %arg19: memref<!tpu.dma_semaphore, #tpu.memory_space<semaphore_mem>>) attributes {dimension_semantics = [#tpu.dimension_semantics<core_parallel>, #tpu.dimension_semantics<subcore_parallel>], iteration_bounds = array<i64: 2, 16>, scalar_prefetch = 0 : i64, scratch_operands = 15 : i64, tpu.core_type = #tpu.core_type<sc_vector_subcore>, window_params = [{transform_indices = #map}, {transform_indices = #map1}, {transform_indices = #map2}]} {
    %mul3A = arith.constant 2 : i32
    %mul3A_0 = arith.muli %arg1, %mul3A : i32
    %add3A = arith.addi %mul3A_0, %arg0 : i32
    %run_scoped3A = arith.constant 0 : i32
    "tpu.region"() ({
      %run_scoped3A_48 = tpu.sem_alloc : memref<!tpu.dma_semaphore, #tpu.memory_space<semaphore_mem>>
      %dma_start3A_49 = arith.constant 0 : i32
      %dma_start3A_50 = arith.constant 0 : i32
      %dma_start3A_51 = tpu.memref_slice %arg2[%add3A, %run_scoped3A, %dma_start3A_49, %dma_start3A_50] : memref<32x3x56x56xi32, #tpu.memory_space<hbm>> -> memref<1x1x56x56xi32, #tpu.memory_space<hbm>>
      %dma_start3A_52 = tpu.memref_squeeze %dma_start3A_51 : memref<1x1x56x56xi32, #tpu.memory_space<hbm>> -> memref<56x56xi32, #tpu.memory_space<hbm>>
      %dma_start3A_53 = arith.constant 0 : i32
      %dma_start3A_54 = arith.constant 0 : i32
      %dma_start3A_55 = tpu.memref_slice %arg2[%add3A, %run_scoped3A, %dma_start3A_53, %dma_start3A_54] : memref<32x3x56x56xi32, #tpu.memory_space<hbm>> -> memref<1x1x56x56xi32, #tpu.memory_space<hbm>>
      %dma_start3A_56 = tpu.memref_squeeze %dma_start3A_55 : memref<1x1x56x56xi32, #tpu.memory_space<hbm>> -> memref<56x56xi32, #tpu.memory_space<hbm>>
      tpu.enqueue_dma source(%dma_start3A_56 : memref<56x56xi32, #tpu.memory_space<hbm>>) target(%arg5 : memref<56x56xi32, #tpu.memory_space<vmem>>) target_semaphore(%run_scoped3A_48 : memref<!tpu.dma_semaphore, #tpu.memory_space<semaphore_mem>>)
      %dma_wait3A_57 = arith.constant 0 : i32
      %dma_wait3A_58 = arith.constant 0 : i32
      %dma_wait3A_59 = tpu.memref_slice %arg2[%add3A, %run_scoped3A, %dma_wait3A_57, %dma_wait3A_58] : memref<32x3x56x56xi32, #tpu.memory_space<hbm>> -> memref<1x1x56x56xi32, #tpu.memory_space<hbm>>
      %dma_wait3A_60 = tpu.memref_squeeze %dma_wait3A_59 : memref<1x1x56x56xi32, #tpu.memory_space<hbm>> -> memref<56x56xi32, #tpu.memory_space<hbm>>
      %dma_wait3A_61 = arith.constant 0 : i32
      %dma_wait3A_62 = arith.constant 0 : i32
      %dma_wait3A_63 = tpu.memref_slice %arg2[%add3A, %run_scoped3A, %dma_wait3A_61, %dma_wait3A_62] : memref<32x3x56x56xi32, #tpu.memory_space<hbm>> -> memref<1x1x56x56xi32, #tpu.memory_space<hbm>>
      %dma_wait3A_64 = tpu.memref_squeeze %dma_wait3A_63 : memref<1x1x56x56xi32, #tpu.memory_space<hbm>> -> memref<56x56xi32, #tpu.memory_space<hbm>>
      tpu.wait_dma2 semaphore(%run_scoped3A_48 : memref<!tpu.dma_semaphore, #tpu.memory_space<semaphore_mem>>) src(%dma_wait3A_64 : memref<56x56xi32, #tpu.memory_space<hbm>>) dst(%arg5 : memref<56x56xi32, #tpu.memory_space<vmem>>)
      tpu.yield
    }) : () -> ()
    %run_scoped3A_1 = arith.constant 1 : i32
    "tpu.region"() ({
      %run_scoped3A_48 = tpu.sem_alloc : memref<!tpu.dma_semaphore, #tpu.memory_space<semaphore_mem>>
      %dma_start3A_49 = arith.constant 0 : i32
      %dma_start3A_50 = arith.constant 0 : i32
      %dma_start3A_51 = tpu.memref_slice %arg2[%add3A, %run_scoped3A_1, %dma_start3A_49, %dma_start3A_50] : memref<32x3x56x56xi32, #tpu.memory_space<hbm>> -> memref<1x1x56x56xi32, #tpu.memory_space<hbm>>
      %dma_start3A_52 = tpu.memref_squeeze %dma_start3A_51 : memref<1x1x56x56xi32, #tpu.memory_space<hbm>> -> memref<56x56xi32, #tpu.memory_space<hbm>>
      %dma_start3A_53 = arith.constant 0 : i32
      %dma_start3A_54 = arith.constant 0 : i32
      %dma_start3A_55 = tpu.memref_slice %arg2[%add3A, %run_scoped3A_1, %dma_start3A_53, %dma_start3A_54] : memref<32x3x56x56xi32, #tpu.memory_space<hbm>> -> memref<1x1x56x56xi32, #tpu.memory_space<hbm>>
      %dma_start3A_56 = tpu.memref_squeeze %dma_start3A_55 : memref<1x1x56x56xi32, #tpu.memory_space<hbm>> -> memref<56x56xi32, #tpu.memory_space<hbm>>
      tpu.enqueue_dma source(%dma_start3A_56 : memref<56x56xi32, #tpu.memory_space<hbm>>) target(%arg6 : memref<56x56xi32, #tpu.memory_space<vmem>>) target_semaphore(%run_scoped3A_48 : memref<!tpu.dma_semaphore, #tpu.memory_space<semaphore_mem>>)
      %dma_wait3A_57 = arith.constant 0 : i32
      %dma_wait3A_58 = arith.constant 0 : i32
      %dma_wait3A_59 = tpu.memref_slice %arg2[%add3A, %run_scoped3A_1, %dma_wait3A_57, %dma_wait3A_58] : memref<32x3x56x56xi32, #tpu.memory_space<hbm>> -> memref<1x1x56x56xi32, #tpu.memory_space<hbm>>
      %dma_wait3A_60 = tpu.memref_squeeze %dma_wait3A_59 : memref<1x1x56x56xi32, #tpu.memory_space<hbm>> -> memref<56x56xi32, #tpu.memory_space<hbm>>
      %dma_wait3A_61 = arith.constant 0 : i32
      %dma_wait3A_62 = arith.constant 0 : i32
      %dma_wait3A_63 = tpu.memref_slice %arg2[%add3A, %run_scoped3A_1, %dma_wait3A_61, %dma_wait3A_62] : memref<32x3x56x56xi32, #tpu.memory_space<hbm>> -> memref<1x1x56x56xi32, #tpu.memory_space<hbm>>
      %dma_wait3A_64 = tpu.memref_squeeze %dma_wait3A_63 : memref<1x1x56x56xi32, #tpu.memory_space<hbm>> -> memref<56x56xi32, #tpu.memory_space<hbm>>
      tpu.wait_dma2 semaphore(%run_scoped3A_48 : memref<!tpu.dma_semaphore, #tpu.memory_space<semaphore_mem>>) src(%dma_wait3A_64 : memref<56x56xi32, #tpu.memory_space<hbm>>) dst(%arg6 : memref<56x56xi32, #tpu.memory_space<vmem>>)
      tpu.yield
    }) : () -> ()
    %run_scoped3A_2 = arith.constant 2 : i32
    "tpu.region"() ({
      %run_scoped3A_48 = tpu.sem_alloc : memref<!tpu.dma_semaphore, #tpu.memory_space<semaphore_mem>>
      %dma_start3A_49 = arith.constant 0 : i32
      %dma_start3A_50 = arith.constant 0 : i32
      %dma_start3A_51 = tpu.memref_slice %arg2[%add3A, %run_scoped3A_2, %dma_start3A_49, %dma_start3A_50] : memref<32x3x56x56xi32, #tpu.memory_space<hbm>> -> memref<1x1x56x56xi32, #tpu.memory_space<hbm>>
      %dma_start3A_52 = tpu.memref_squeeze %dma_start3A_51 : memref<1x1x56x56xi32, #tpu.memory_space<hbm>> -> memref<56x56xi32, #tpu.memory_space<hbm>>
      %dma_start3A_53 = arith.constant 0 : i32
      %dma_start3A_54 = arith.constant 0 : i32
      %dma_start3A_55 = tpu.memref_slice %arg2[%add3A, %run_scoped3A_2, %dma_start3A_53, %dma_start3A_54] : memref<32x3x56x56xi32, #tpu.memory_space<hbm>> -> memref<1x1x56x56xi32, #tpu.memory_space<hbm>>
      %dma_start3A_56 = tpu.memref_squeeze %dma_start3A_55 : memref<1x1x56x56xi32, #tpu.memory_space<hbm>> -> memref<56x56xi32, #tpu.memory_space<hbm>>
      tpu.enqueue_dma source(%dma_start3A_56 : memref<56x56xi32, #tpu.memory_space<hbm>>) target(%arg7 : memref<56x56xi32, #tpu.memory_space<vmem>>) target_semaphore(%run_scoped3A_48 : memref<!tpu.dma_semaphore, #tpu.memory_space<semaphore_mem>>)
      %dma_wait3A_57 = arith.constant 0 : i32
      %dma_wait3A_58 = arith.constant 0 : i32
      %dma_wait3A_59 = tpu.memref_slice %arg2[%add3A, %run_scoped3A_2, %dma_wait3A_57, %dma_wait3A_58] : memref<32x3x56x56xi32, #tpu.memory_space<hbm>> -> memref<1x1x56x56xi32, #tpu.memory_space<hbm>>
      %dma_wait3A_60 = tpu.memref_squeeze %dma_wait3A_59 : memref<1x1x56x56xi32, #tpu.memory_space<hbm>> -> memref<56x56xi32, #tpu.memory_space<hbm>>
      %dma_wait3A_61 = arith.constant 0 : i32
      %dma_wait3A_62 = arith.constant 0 : i32
      %dma_wait3A_63 = tpu.memref_slice %arg2[%add3A, %run_scoped3A_2, %dma_wait3A_61, %dma_wait3A_62] : memref<32x3x56x56xi32, #tpu.memory_space<hbm>> -> memref<1x1x56x56xi32, #tpu.memory_space<hbm>>
      %dma_wait3A_64 = tpu.memref_squeeze %dma_wait3A_63 : memref<1x1x56x56xi32, #tpu.memory_space<hbm>> -> memref<56x56xi32, #tpu.memory_space<hbm>>
      tpu.wait_dma2 semaphore(%run_scoped3A_48 : memref<!tpu.dma_semaphore, #tpu.memory_space<semaphore_mem>>) src(%dma_wait3A_64 : memref<56x56xi32, #tpu.memory_space<hbm>>) dst(%arg7 : memref<56x56xi32, #tpu.memory_space<vmem>>)
      tpu.yield
    }) : () -> ()
    %scan3A = arith.constant 0 : i32
    %scan3A_3 = arith.constant 0 : i32
    %scan3A_4 = arith.constant 14 : i32
    %scan3A_5 = arith.addi %scan3A_3, %scan3A_4 : i32
    %scan3A_6 = arith.constant 1 : i32
    scf.for %scan3A_48 = %scan3A_3 to %scan3A_5 step %scan3A_6  : i32 {
      %gt3A = arith.constant 0 : i32
      %gt3A_49 = arith.cmpi sgt, %scan3A_48, %gt3A : i32
      %convert_element_type3A = arith.extui %gt3A_49 : i1 to i32
      %cond3A = arith.constant 0 : i32
      %cond3A_50 = arith.cmpi ne, %convert_element_type3A, %cond3A : i32
      scf.if %cond3A_50 {
        %dma_wait3A_610 = arith.constant 0 : i32
        %dma_wait3A_611 = arith.constant 0 : i32
        %dma_wait3A_612 = tpu.memref_slice %arg15[%dma_wait3A_610, %dma_wait3A_611] : memref<112x384xf32, #tpu.memory_space<vmem>> -> memref<112x128xf32, #tpu.memory_space<vmem>>
        %dma_wait3A_613 = arith.constant 0 : i32
        %dma_wait3A_614 = arith.constant 0 : i32
        %dma_wait3A_615 = tpu.memref_slice %arg3[%dma_wait3A_613, %dma_wait3A_614] : memref<3072x128xf32, #tpu.memory_space<hbm>> -> memref<3072x128xf32, #tpu.memory_space<hbm>>
        tpu.wait_indirect_dma semaphore(%arg17 : memref<!tpu.dma_semaphore, #tpu.memory_space<semaphore_mem>>) src(%dma_wait3A_615 : memref<3072x128xf32, #tpu.memory_space<hbm>>) dst(%dma_wait3A_612 : memref<112x128xf32, #tpu.memory_space<vmem>>)
        %dma_wait3A_616 = arith.constant 0 : i32
        %dma_wait3A_617 = arith.constant 128 : i32
        %dma_wait3A_618 = tpu.memref_slice %arg15[%dma_wait3A_616, %dma_wait3A_617] : memref<112x384xf32, #tpu.memory_space<vmem>> -> memref<112x128xf32, #tpu.memory_space<vmem>>
        %dma_wait3A_619 = arith.constant 0 : i32
        %dma_wait3A_620 = arith.constant 0 : i32
        %dma_wait3A_621 = tpu.memref_slice %arg3[%dma_wait3A_619, %dma_wait3A_620] : memref<3072x128xf32, #tpu.memory_space<hbm>> -> memref<3072x128xf32, #tpu.memory_space<hbm>>
        tpu.wait_indirect_dma semaphore(%arg17 : memref<!tpu.dma_semaphore, #tpu.memory_space<semaphore_mem>>) src(%dma_wait3A_621 : memref<3072x128xf32, #tpu.memory_space<hbm>>) dst(%dma_wait3A_618 : memref<112x128xf32, #tpu.memory_space<vmem>>)
        %dma_wait3A_622 = arith.constant 0 : i32
        %dma_wait3A_623 = arith.constant 256 : i32
        %dma_wait3A_624 = tpu.memref_slice %arg15[%dma_wait3A_622, %dma_wait3A_623] : memref<112x384xf32, #tpu.memory_space<vmem>> -> memref<112x128xf32, #tpu.memory_space<vmem>>
        %dma_wait3A_625 = arith.constant 0 : i32
        %dma_wait3A_626 = arith.constant 0 : i32
        %dma_wait3A_627 = tpu.memref_slice %arg3[%dma_wait3A_625, %dma_wait3A_626] : memref<3072x128xf32, #tpu.memory_space<hbm>> -> memref<3072x128xf32, #tpu.memory_space<hbm>>
        tpu.wait_indirect_dma semaphore(%arg17 : memref<!tpu.dma_semaphore, #tpu.memory_space<semaphore_mem>>) src(%dma_wait3A_627 : memref<3072x128xf32, #tpu.memory_space<hbm>>) dst(%dma_wait3A_624 : memref<112x128xf32, #tpu.memory_space<vmem>>)
        %mul3A_628 = arith.constant 2 : i32
        %mul3A_629 = arith.muli %scan3A_48, %mul3A_628 : i32
        %sub3A = arith.constant 1 : i32
        %sub3A_630 = arith.subi %mul3A_629, %sub3A : i32
        %mul3A_631 = arith.constant 112 : i32
        %mul3A_632 = arith.muli %sub3A_630, %mul3A_631 : i32
        %dma_start3A_633 = arith.constant 0 : i32
        %dma_start3A_634 = tpu.memref_slice %arg4[%add3A, %mul3A_632, %dma_start3A_633] : memref<32x3136x384xf32, #tpu.memory_space<hbm>> -> memref<1x112x384xf32, #tpu.memory_space<hbm>>
        %dma_start3A_635 = tpu.memref_squeeze %dma_start3A_634 : memref<1x112x384xf32, #tpu.memory_space<hbm>> -> memref<112x384xf32, #tpu.memory_space<hbm>>
        %dma_start3A_636 = arith.constant 0 : i32
        %dma_start3A_637 = tpu.memref_slice %arg4[%add3A, %mul3A_632, %dma_start3A_636] : memref<32x3136x384xf32, #tpu.memory_space<hbm>> -> memref<1x112x384xf32, #tpu.memory_space<hbm>>
        %dma_start3A_638 = tpu.memref_squeeze %dma_start3A_637 : memref<1x112x384xf32, #tpu.memory_space<hbm>> -> memref<112x384xf32, #tpu.memory_space<hbm>>
        tpu.enqueue_dma source(%arg15 : memref<112x384xf32, #tpu.memory_space<vmem>>) target(%dma_start3A_638 : memref<112x384xf32, #tpu.memory_space<hbm>>) target_semaphore(%arg19 : memref<!tpu.dma_semaphore, #tpu.memory_space<semaphore_mem>>)
        %dma_wait3A_639 = arith.constant 0 : i32
        %dma_wait3A_640 = arith.constant 0 : i32
        %dma_wait3A_641 = tpu.memref_slice %arg4[%add3A, %dma_wait3A_639, %dma_wait3A_640] : memref<32x3136x384xf32, #tpu.memory_space<hbm>> -> memref<1x112x384xf32, #tpu.memory_space<hbm>>
        %dma_wait3A_642 = tpu.memref_squeeze %dma_wait3A_641 : memref<1x112x384xf32, #tpu.memory_space<hbm>> -> memref<112x384xf32, #tpu.memory_space<hbm>>
        %dma_wait3A_643 = arith.constant 0 : i32
        %dma_wait3A_644 = arith.constant 0 : i32
        %dma_wait3A_645 = tpu.memref_slice %arg4[%add3A, %dma_wait3A_643, %dma_wait3A_644] : memref<32x3136x384xf32, #tpu.memory_space<hbm>> -> memref<1x112x384xf32, #tpu.memory_space<hbm>>
        %dma_wait3A_646 = tpu.memref_squeeze %dma_wait3A_645 : memref<1x112x384xf32, #tpu.memory_space<hbm>> -> memref<112x384xf32, #tpu.memory_space<hbm>>
        tpu.wait_dma2 semaphore(%arg18 : memref<!tpu.dma_semaphore, #tpu.memory_space<semaphore_mem>>) src(%arg14 : memref<112x384xf32, #tpu.memory_space<vmem>>) dst(%dma_wait3A_646 : memref<112x384xf32, #tpu.memory_space<hbm>>)
      } else {
      }
      %mul3A_51 = arith.constant 2 : i32
      %mul3A_52 = arith.muli %scan3A_48, %mul3A_51 : i32
      %add3A_53 = arith.constant 0 : i32
      %add3A_54 = arith.addi %mul3A_52, %add3A_53 : i32
      %mul3A_55 = arith.constant 2 : i32
      %mul3A_56 = arith.muli %add3A_54, %mul3A_55 : i32
      %add3A_57 = arith.constant 0 : i32
      %add3A_58 = arith.addi %mul3A_56, %add3A_57 : i32
      %get3A = arith.index_cast %add3A_58 : i32 to index
      %get3A_59 = arith.constant 0 : index
      %get3A_60 = tpu.vector_load %arg5[%get3A, %get3A_59] {strides = array<i32>} : memref<56x56xi32, #tpu.memory_space<vmem>>, vector<16xi32>,
      %add3A_61 = arith.constant 0 : i32
      %add3A_62 = vector.broadcast %add3A_61 : i32 to vector<16xi32>
      %add3A_63 = arith.addi %get3A_60, %add3A_62 : vector<16xi32>
      %swap3A = arith.constant 0 : index
      %swap3A_64 = tpu.vector_load %arg8[%swap3A] {strides = array<i32>} : memref<112xi32, #tpu.memory_space<vmem>>, vector<16xi32>,
      tpu.vector_store %arg8[%swap3A], %add3A_63 {strides = array<i32>} : memref<112xi32, #tpu.memory_space<vmem>>, vector<16xi32>,
      %add3A_65 = arith.constant 0 : i32
      %add3A_66 = arith.addi %mul3A_56, %add3A_65 : i32
      %get3A_67 = arith.index_cast %add3A_66 : i32 to index
      %get3A_68 = arith.constant 16 : index
      %get3A_69 = tpu.vector_load %arg5[%get3A_67, %get3A_68] {strides = array<i32>} : memref<56x56xi32, #tpu.memory_space<vmem>>, vector<16xi32>,
      %add3A_70 = arith.constant 0 : i32
      %add3A_71 = vector.broadcast %add3A_70 : i32 to vector<16xi32>
      %add3A_72 = arith.addi %get3A_69, %add3A_71 : vector<16xi32>
      %swap3A_73 = arith.constant 16 : index
      %swap3A_74 = tpu.vector_load %arg8[%swap3A_73] {strides = array<i32>} : memref<112xi32, #tpu.memory_space<vmem>>, vector<16xi32>,
      tpu.vector_store %arg8[%swap3A_73], %add3A_72 {strides = array<i32>} : memref<112xi32, #tpu.memory_space<vmem>>, vector<16xi32>,
      %add3A_75 = arith.constant 0 : i32
      %add3A_76 = arith.addi %mul3A_56, %add3A_75 : i32
      %get3A_77 = arith.index_cast %add3A_76 : i32 to index
      %get3A_78 = arith.constant 32 : index
      %get3A_79 = tpu.vector_load %arg5[%get3A_77, %get3A_78] {strides = array<i32>} : memref<56x56xi32, #tpu.memory_space<vmem>>, vector<16xi32>,
      %add3A_80 = arith.constant 0 : i32
      %add3A_81 = vector.broadcast %add3A_80 : i32 to vector<16xi32>
      %add3A_82 = arith.addi %get3A_79, %add3A_81 : vector<16xi32>
      %swap3A_83 = arith.constant 32 : index
      %swap3A_84 = tpu.vector_load %arg8[%swap3A_83] {strides = array<i32>} : memref<112xi32, #tpu.memory_space<vmem>>, vector<16xi32>,
      tpu.vector_store %arg8[%swap3A_83], %add3A_82 {strides = array<i32>} : memref<112xi32, #tpu.memory_space<vmem>>, vector<16xi32>,
      %add3A_85 = arith.constant 0 : i32
      %add3A_86 = arith.addi %mul3A_56, %add3A_85 : i32
      %get3A_87 = arith.index_cast %add3A_86 : i32 to index
      %get3A_88 = arith.constant 40 : index
      %get3A_89 = tpu.vector_load %arg5[%get3A_87, %get3A_88] {strides = array<i32>} : memref<56x56xi32, #tpu.memory_space<vmem>>, vector<16xi32>,
      %add3A_90 = arith.constant 0 : i32
      %add3A_91 = vector.broadcast %add3A_90 : i32 to vector<16xi32>
      %add3A_92 = arith.addi %get3A_89, %add3A_91 : vector<16xi32>
      %swap3A_93 = arith.constant 40 : index
      %swap3A_94 = tpu.vector_load %arg8[%swap3A_93] {strides = array<i32>} : memref<112xi32, #tpu.memory_space<vmem>>, vector<16xi32>,
      tpu.vector_store %arg8[%swap3A_93], %add3A_92 {strides = array<i32>} : memref<112xi32, #tpu.memory_space<vmem>>, vector<16xi32>,
      %add3A_95 = arith.constant 1 : i32
      %add3A_96 = arith.addi %mul3A_56, %add3A_95 : i32
      %get3A_97 = arith.index_cast %add3A_96 : i32 to index
      %get3A_98 = arith.constant 0 : index
      %get3A_99 = tpu.vector_load %arg5[%get3A_97, %get3A_98] {strides = array<i32>} : memref<56x56xi32, #tpu.memory_space<vmem>>, vector<16xi32>,
      %add3A_100 = arith.constant 0 : i32
      %add3A_101 = vector.broadcast %add3A_100 : i32 to vector<16xi32>
      %add3A_102 = arith.addi %get3A_99, %add3A_101 : vector<16xi32>
      %swap3A_103 = arith.constant 56 : index
      %swap3A_104 = tpu.vector_load %arg8[%swap3A_103] {strides = array<i32>} : memref<112xi32, #tpu.memory_space<vmem>>, vector<16xi32>,
      tpu.vector_store %arg8[%swap3A_103], %add3A_102 {strides = array<i32>} : memref<112xi32, #tpu.memory_space<vmem>>, vector<16xi32>,
      %add3A_105 = arith.constant 1 : i32
      %add3A_106 = arith.addi %mul3A_56, %add3A_105 : i32
      %get3A_107 = arith.index_cast %add3A_106 : i32 to index
      %get3A_108 = arith.constant 16 : index
      %get3A_109 = tpu.vector_load %arg5[%get3A_107, %get3A_108] {strides = array<i32>} : memref<56x56xi32, #tpu.memory_space<vmem>>, vector<16xi32>,
      %add3A_110 = arith.constant 0 : i32
      %add3A_111 = vector.broadcast %add3A_110 : i32 to vector<16xi32>
      %add3A_112 = arith.addi %get3A_109, %add3A_111 : vector<16xi32>
      %swap3A_113 = arith.constant 72 : index
      %swap3A_114 = tpu.vector_load %arg8[%swap3A_113] {strides = array<i32>} : memref<112xi32, #tpu.memory_space<vmem>>, vector<16xi32>,
      tpu.vector_store %arg8[%swap3A_113], %add3A_112 {strides = array<i32>} : memref<112xi32, #tpu.memory_space<vmem>>, vector<16xi32>,
      %add3A_115 = arith.constant 1 : i32
      %add3A_116 = arith.addi %mul3A_56, %add3A_115 : i32
      %get3A_117 = arith.index_cast %add3A_116 : i32 to index
      %get3A_118 = arith.constant 32 : index
      %get3A_119 = tpu.vector_load %arg5[%get3A_117, %get3A_118] {strides = array<i32>} : memref<56x56xi32, #tpu.memory_space<vmem>>, vector<16xi32>,
      %add3A_120 = arith.constant 0 : i32
      %add3A_121 = vector.broadcast %add3A_120 : i32 to vector<16xi32>
      %add3A_122 = arith.addi %get3A_119, %add3A_121 : vector<16xi32>
      %swap3A_123 = arith.constant 88 : index
      %swap3A_124 = tpu.vector_load %arg8[%swap3A_123] {strides = array<i32>} : memref<112xi32, #tpu.memory_space<vmem>>, vector<16xi32>,
      tpu.vector_store %arg8[%swap3A_123], %add3A_122 {strides = array<i32>} : memref<112xi32, #tpu.memory_space<vmem>>, vector<16xi32>,
      %add3A_125 = arith.constant 1 : i32
      %add3A_126 = arith.addi %mul3A_56, %add3A_125 : i32
      %get3A_127 = arith.index_cast %add3A_126 : i32 to index
      %get3A_128 = arith.constant 40 : index
      %get3A_129 = tpu.vector_load %arg5[%get3A_127, %get3A_128] {strides = array<i32>} : memref<56x56xi32, #tpu.memory_space<vmem>>, vector<16xi32>,
      %add3A_130 = arith.constant 0 : i32
      %add3A_131 = vector.broadcast %add3A_130 : i32 to vector<16xi32>
      %add3A_132 = arith.addi %get3A_129, %add3A_131 : vector<16xi32>
      %swap3A_133 = arith.constant 96 : index
      %swap3A_134 = tpu.vector_load %arg8[%swap3A_133] {strides = array<i32>} : memref<112xi32, #tpu.memory_space<vmem>>, vector<16xi32>,
      tpu.vector_store %arg8[%swap3A_133], %add3A_132 {strides = array<i32>} : memref<112xi32, #tpu.memory_space<vmem>>, vector<16xi32>,
      %add3A_135 = arith.constant 0 : i32
      %add3A_136 = arith.addi %mul3A_56, %add3A_135 : i32
      %get3A_137 = arith.index_cast %add3A_136 : i32 to index
      %get3A_138 = arith.constant 0 : index
      %get3A_139 = tpu.vector_load %arg6[%get3A_137, %get3A_138] {strides = array<i32>} : memref<56x56xi32, #tpu.memory_space<vmem>>, vector<16xi32>,
      %add3A_140 = arith.constant 1024 : i32
      %add3A_141 = vector.broadcast %add3A_140 : i32 to vector<16xi32>
      %add3A_142 = arith.addi %get3A_139, %add3A_141 : vector<16xi32>
      %swap3A_143 = arith.constant 0 : index
      %swap3A_144 = tpu.vector_load %arg9[%swap3A_143] {strides = array<i32>} : memref<112xi32, #tpu.memory_space<vmem>>, vector<16xi32>,
      tpu.vector_store %arg9[%swap3A_143], %add3A_142 {strides = array<i32>} : memref<112xi32, #tpu.memory_space<vmem>>, vector<16xi32>,
      %add3A_145 = arith.constant 0 : i32
      %add3A_146 = arith.addi %mul3A_56, %add3A_145 : i32
      %get3A_147 = arith.index_cast %add3A_146 : i32 to index
      %get3A_148 = arith.constant 16 : index
      %get3A_149 = tpu.vector_load %arg6[%get3A_147, %get3A_148] {strides = array<i32>} : memref<56x56xi32, #tpu.memory_space<vmem>>, vector<16xi32>,
      %add3A_150 = arith.constant 1024 : i32
      %add3A_151 = vector.broadcast %add3A_150 : i32 to vector<16xi32>
      %add3A_152 = arith.addi %get3A_149, %add3A_151 : vector<16xi32>
      %swap3A_153 = arith.constant 16 : index
      %swap3A_154 = tpu.vector_load %arg9[%swap3A_153] {strides = array<i32>} : memref<112xi32, #tpu.memory_space<vmem>>, vector<16xi32>,
      tpu.vector_store %arg9[%swap3A_153], %add3A_152 {strides = array<i32>} : memref<112xi32, #tpu.memory_space<vmem>>, vector<16xi32>,
      %add3A_155 = arith.constant 0 : i32
      %add3A_156 = arith.addi %mul3A_56, %add3A_155 : i32
      %get3A_157 = arith.index_cast %add3A_156 : i32 to index
      %get3A_158 = arith.constant 32 : index
      %get3A_159 = tpu.vector_load %arg6[%get3A_157, %get3A_158] {strides = array<i32>} : memref<56x56xi32, #tpu.memory_space<vmem>>, vector<16xi32>,
      %add3A_160 = arith.constant 1024 : i32
      %add3A_161 = vector.broadcast %add3A_160 : i32 to vector<16xi32>
      %add3A_162 = arith.addi %get3A_159, %add3A_161 : vector<16xi32>
      %swap3A_163 = arith.constant 32 : index
      %swap3A_164 = tpu.vector_load %arg9[%swap3A_163] {strides = array<i32>} : memref<112xi32, #tpu.memory_space<vmem>>, vector<16xi32>,
      tpu.vector_store %arg9[%swap3A_163], %add3A_162 {strides = array<i32>} : memref<112xi32, #tpu.memory_space<vmem>>, vector<16xi32>,
      %add3A_165 = arith.constant 0 : i32
      %add3A_166 = arith.addi %mul3A_56, %add3A_165 : i32
      %get3A_167 = arith.index_cast %add3A_166 : i32 to index
      %get3A_168 = arith.constant 40 : index
      %get3A_169 = tpu.vector_load %arg6[%get3A_167, %get3A_168] {strides = array<i32>} : memref<56x56xi32, #tpu.memory_space<vmem>>, vector<16xi32>,
      %add3A_170 = arith.constant 1024 : i32
      %add3A_171 = vector.broadcast %add3A_170 : i32 to vector<16xi32>
      %add3A_172 = arith.addi %get3A_169, %add3A_171 : vector<16xi32>
      %swap3A_173 = arith.constant 40 : index
      %swap3A_174 = tpu.vector_load %arg9[%swap3A_173] {strides = array<i32>} : memref<112xi32, #tpu.memory_space<vmem>>, vector<16xi32>,
      tpu.vector_store %arg9[%swap3A_173], %add3A_172 {strides = array<i32>} : memref<112xi32, #tpu.memory_space<vmem>>, vector<16xi32>,
      %add3A_175 = arith.constant 1 : i32
      %add3A_176 = arith.addi %mul3A_56, %add3A_175 : i32
      %get3A_177 = arith.index_cast %add3A_176 : i32 to index
      %get3A_178 = arith.constant 0 : index
      %get3A_179 = tpu.vector_load %arg6[%get3A_177, %get3A_178] {strides = array<i32>} : memref<56x56xi32, #tpu.memory_space<vmem>>, vector<16xi32>,
      %add3A_180 = arith.constant 1024 : i32
      %add3A_181 = vector.broadcast %add3A_180 : i32 to vector<16xi32>
      %add3A_182 = arith.addi %get3A_179, %add3A_181 : vector<16xi32>
      %swap3A_183 = arith.constant 56 : index
      %swap3A_184 = tpu.vector_load %arg9[%swap3A_183] {strides = array<i32>} : memref<112xi32, #tpu.memory_space<vmem>>, vector<16xi32>,
      tpu.vector_store %arg9[%swap3A_183], %add3A_182 {strides = array<i32>} : memref<112xi32, #tpu.memory_space<vmem>>, vector<16xi32>,
      %add3A_185 = arith.constant 1 : i32
      %add3A_186 = arith.addi %mul3A_56, %add3A_185 : i32
      %get3A_187 = arith.index_cast %add3A_186 : i32 to index
      %get3A_188 = arith.constant 16 : index
      %get3A_189 = tpu.vector_load %arg6[%get3A_187, %get3A_188] {strides = array<i32>} : memref<56x56xi32, #tpu.memory_space<vmem>>, vector<16xi32>,
      %add3A_190 = arith.constant 1024 : i32
      %add3A_191 = vector.broadcast %add3A_190 : i32 to vector<16xi32>
      %add3A_192 = arith.addi %get3A_189, %add3A_191 : vector<16xi32>
      %swap3A_193 = arith.constant 72 : index
      %swap3A_194 = tpu.vector_load %arg9[%swap3A_193] {strides = array<i32>} : memref<112xi32, #tpu.memory_space<vmem>>, vector<16xi32>,
      tpu.vector_store %arg9[%swap3A_193], %add3A_192 {strides = array<i32>} : memref<112xi32, #tpu.memory_space<vmem>>, vector<16xi32>,
      %add3A_195 = arith.constant 1 : i32
      %add3A_196 = arith.addi %mul3A_56, %add3A_195 : i32
      %get3A_197 = arith.index_cast %add3A_196 : i32 to index
      %get3A_198 = arith.constant 32 : index
      %get3A_199 = tpu.vector_load %arg6[%get3A_197, %get3A_198] {strides = array<i32>} : memref<56x56xi32, #tpu.memory_space<vmem>>, vector<16xi32>,
      %add3A_200 = arith.constant 1024 : i32
      %add3A_201 = vector.broadcast %add3A_200 : i32 to vector<16xi32>
      %add3A_202 = arith.addi %get3A_199, %add3A_201 : vector<16xi32>
      %swap3A_203 = arith.constant 88 : index
      %swap3A_204 = tpu.vector_load %arg9[%swap3A_203] {strides = array<i32>} : memref<112xi32, #tpu.memory_space<vmem>>, vector<16xi32>,
      tpu.vector_store %arg9[%swap3A_203], %add3A_202 {strides = array<i32>} : memref<112xi32, #tpu.memory_space<vmem>>, vector<16xi32>,
      %add3A_205 = arith.constant 1 : i32
      %add3A_206 = arith.addi %mul3A_56, %add3A_205 : i32
      %get3A_207 = arith.index_cast %add3A_206 : i32 to index
      %get3A_208 = arith.constant 40 : index
      %get3A_209 = tpu.vector_load %arg6[%get3A_207, %get3A_208] {strides = array<i32>} : memref<56x56xi32, #tpu.memory_space<vmem>>, vector<16xi32>,
      %add3A_210 = arith.constant 1024 : i32
      %add3A_211 = vector.broadcast %add3A_210 : i32 to vector<16xi32>
      %add3A_212 = arith.addi %get3A_209, %add3A_211 : vector<16xi32>
      %swap3A_213 = arith.constant 96 : index
      %swap3A_214 = tpu.vector_load %arg9[%swap3A_213] {strides = array<i32>} : memref<112xi32, #tpu.memory_space<vmem>>, vector<16xi32>,
      tpu.vector_store %arg9[%swap3A_213], %add3A_212 {strides = array<i32>} : memref<112xi32, #tpu.memory_space<vmem>>, vector<16xi32>,
      %add3A_215 = arith.constant 0 : i32
      %add3A_216 = arith.addi %mul3A_56, %add3A_215 : i32
      %get3A_217 = arith.index_cast %add3A_216 : i32 to index
      %get3A_218 = arith.constant 0 : index
      %get3A_219 = tpu.vector_load %arg7[%get3A_217, %get3A_218] {strides = array<i32>} : memref<56x56xi32, #tpu.memory_space<vmem>>, vector<16xi32>,
      %add3A_220 = arith.constant 2048 : i32
      %add3A_221 = vector.broadcast %add3A_220 : i32 to vector<16xi32>
      %add3A_222 = arith.addi %get3A_219, %add3A_221 : vector<16xi32>
      %swap3A_223 = arith.constant 0 : index
      %swap3A_224 = tpu.vector_load %arg10[%swap3A_223] {strides = array<i32>} : memref<112xi32, #tpu.memory_space<vmem>>, vector<16xi32>,
      tpu.vector_store %arg10[%swap3A_223], %add3A_222 {strides = array<i32>} : memref<112xi32, #tpu.memory_space<vmem>>, vector<16xi32>,
      %add3A_225 = arith.constant 0 : i32
      %add3A_226 = arith.addi %mul3A_56, %add3A_225 : i32
      %get3A_227 = arith.index_cast %add3A_226 : i32 to index
      %get3A_228 = arith.constant 16 : index
      %get3A_229 = tpu.vector_load %arg7[%get3A_227, %get3A_228] {strides = array<i32>} : memref<56x56xi32, #tpu.memory_space<vmem>>, vector<16xi32>,
      %add3A_230 = arith.constant 2048 : i32
      %add3A_231 = vector.broadcast %add3A_230 : i32 to vector<16xi32>
      %add3A_232 = arith.addi %get3A_229, %add3A_231 : vector<16xi32>
      %swap3A_233 = arith.constant 16 : index
      %swap3A_234 = tpu.vector_load %arg10[%swap3A_233] {strides = array<i32>} : memref<112xi32, #tpu.memory_space<vmem>>, vector<16xi32>,
      tpu.vector_store %arg10[%swap3A_233], %add3A_232 {strides = array<i32>} : memref<112xi32, #tpu.memory_space<vmem>>, vector<16xi32>,
      %add3A_235 = arith.constant 0 : i32
      %add3A_236 = arith.addi %mul3A_56, %add3A_235 : i32
      %get3A_237 = arith.index_cast %add3A_236 : i32 to index
      %get3A_238 = arith.constant 32 : index
      %get3A_239 = tpu.vector_load %arg7[%get3A_237, %get3A_238] {strides = array<i32>} : memref<56x56xi32, #tpu.memory_space<vmem>>, vector<16xi32>,
      %add3A_240 = arith.constant 2048 : i32
      %add3A_241 = vector.broadcast %add3A_240 : i32 to vector<16xi32>
      %add3A_242 = arith.addi %get3A_239, %add3A_241 : vector<16xi32>
      %swap3A_243 = arith.constant 32 : index
      %swap3A_244 = tpu.vector_load %arg10[%swap3A_243] {strides = array<i32>} : memref<112xi32, #tpu.memory_space<vmem>>, vector<16xi32>,
      tpu.vector_store %arg10[%swap3A_243], %add3A_242 {strides = array<i32>} : memref<112xi32, #tpu.memory_space<vmem>>, vector<16xi32>,
      %add3A_245 = arith.constant 0 : i32
      %add3A_246 = arith.addi %mul3A_56, %add3A_245 : i32
      %get3A_247 = arith.index_cast %add3A_246 : i32 to index
      %get3A_248 = arith.constant 40 : index
      %get3A_249 = tpu.vector_load %arg7[%get3A_247, %get3A_248] {strides = array<i32>} : memref<56x56xi32, #tpu.memory_space<vmem>>, vector<16xi32>,
      %add3A_250 = arith.constant 2048 : i32
      %add3A_251 = vector.broadcast %add3A_250 : i32 to vector<16xi32>
      %add3A_252 = arith.addi %get3A_249, %add3A_251 : vector<16xi32>
      %swap3A_253 = arith.constant 40 : index
      %swap3A_254 = tpu.vector_load %arg10[%swap3A_253] {strides = array<i32>} : memref<112xi32, #tpu.memory_space<vmem>>, vector<16xi32>,
      tpu.vector_store %arg10[%swap3A_253], %add3A_252 {strides = array<i32>} : memref<112xi32, #tpu.memory_space<vmem>>, vector<16xi32>,
      %add3A_255 = arith.constant 1 : i32
      %add3A_256 = arith.addi %mul3A_56, %add3A_255 : i32
      %get3A_257 = arith.index_cast %add3A_256 : i32 to index
      %get3A_258 = arith.constant 0 : index
      %get3A_259 = tpu.vector_load %arg7[%get3A_257, %get3A_258] {strides = array<i32>} : memref<56x56xi32, #tpu.memory_space<vmem>>, vector<16xi32>,
      %add3A_260 = arith.constant 2048 : i32
      %add3A_261 = vector.broadcast %add3A_260 : i32 to vector<16xi32>
      %add3A_262 = arith.addi %get3A_259, %add3A_261 : vector<16xi32>
      %swap3A_263 = arith.constant 56 : index
      %swap3A_264 = tpu.vector_load %arg10[%swap3A_263] {strides = array<i32>} : memref<112xi32, #tpu.memory_space<vmem>>, vector<16xi32>,
      tpu.vector_store %arg10[%swap3A_263], %add3A_262 {strides = array<i32>} : memref<112xi32, #tpu.memory_space<vmem>>, vector<16xi32>,
      %add3A_265 = arith.constant 1 : i32
      %add3A_266 = arith.addi %mul3A_56, %add3A_265 : i32
      %get3A_267 = arith.index_cast %add3A_266 : i32 to index
      %get3A_268 = arith.constant 16 : index
      %get3A_269 = tpu.vector_load %arg7[%get3A_267, %get3A_268] {strides = array<i32>} : memref<56x56xi32, #tpu.memory_space<vmem>>, vector<16xi32>,
      %add3A_270 = arith.constant 2048 : i32
      %add3A_271 = vector.broadcast %add3A_270 : i32 to vector<16xi32>
      %add3A_272 = arith.addi %get3A_269, %add3A_271 : vector<16xi32>
      %swap3A_273 = arith.constant 72 : index
      %swap3A_274 = tpu.vector_load %arg10[%swap3A_273] {strides = array<i32>} : memref<112xi32, #tpu.memory_space<vmem>>, vector<16xi32>,
      tpu.vector_store %arg10[%swap3A_273], %add3A_272 {strides = array<i32>} : memref<112xi32, #tpu.memory_space<vmem>>, vector<16xi32>,
      %add3A_275 = arith.constant 1 : i32
      %add3A_276 = arith.addi %mul3A_56, %add3A_275 : i32
      %get3A_277 = arith.index_cast %add3A_276 : i32 to index
      %get3A_278 = arith.constant 32 : index
      %get3A_279 = tpu.vector_load %arg7[%get3A_277, %get3A_278] {strides = array<i32>} : memref<56x56xi32, #tpu.memory_space<vmem>>, vector<16xi32>,
      %add3A_280 = arith.constant 2048 : i32
      %add3A_281 = vector.broadcast %add3A_280 : i32 to vector<16xi32>
      %add3A_282 = arith.addi %get3A_279, %add3A_281 : vector<16xi32>
      %swap3A_283 = arith.constant 88 : index
      %swap3A_284 = tpu.vector_load %arg10[%swap3A_283] {strides = array<i32>} : memref<112xi32, #tpu.memory_space<vmem>>, vector<16xi32>,
      tpu.vector_store %arg10[%swap3A_283], %add3A_282 {strides = array<i32>} : memref<112xi32, #tpu.memory_space<vmem>>, vector<16xi32>,
      %add3A_285 = arith.constant 1 : i32
      %add3A_286 = arith.addi %mul3A_56, %add3A_285 : i32
      %get3A_287 = arith.index_cast %add3A_286 : i32 to index
      %get3A_288 = arith.constant 40 : index
      %get3A_289 = tpu.vector_load %arg7[%get3A_287, %get3A_288] {strides = array<i32>} : memref<56x56xi32, #tpu.memory_space<vmem>>, vector<16xi32>,
      %add3A_290 = arith.constant 2048 : i32
      %add3A_291 = vector.broadcast %add3A_290 : i32 to vector<16xi32>
      %add3A_292 = arith.addi %get3A_289, %add3A_291 : vector<16xi32>
      %swap3A_293 = arith.constant 96 : index
      %swap3A_294 = tpu.vector_load %arg10[%swap3A_293] {strides = array<i32>} : memref<112xi32, #tpu.memory_space<vmem>>, vector<16xi32>,
      tpu.vector_store %arg10[%swap3A_293], %add3A_292 {strides = array<i32>} : memref<112xi32, #tpu.memory_space<vmem>>, vector<16xi32>,
      %dma_start3A_295 = arith.constant 0 : i32
      %dma_start3A_296 = arith.constant 0 : i32
      %dma_start3A_297 = tpu.memref_slice %arg14[%dma_start3A_295, %dma_start3A_296] : memref<112x384xf32, #tpu.memory_space<vmem>> -> memref<112x128xf32, #tpu.memory_space<vmem>>
      %dma_start3A_298 = arith.constant 0 : i32
      %dma_start3A_299 = arith.constant 0 : i32
      %dma_start3A_300 = tpu.memref_slice %arg3[%dma_start3A_298, %dma_start3A_299] : memref<3072x128xf32, #tpu.memory_space<hbm>> -> memref<3072x128xf32, #tpu.memory_space<hbm>>
      tpu.enqueue_indirect_dma source(%dma_start3A_300 : memref<3072x128xf32, #tpu.memory_space<hbm>>) target(%dma_start3A_297 : memref<112x128xf32, #tpu.memory_space<vmem>>) offsets(%arg8 : memref<112xi32, #tpu.memory_space<vmem>>) semaphore(%arg16 : memref<!tpu.dma_semaphore, #tpu.memory_space<semaphore_mem>>)
      %dma_start3A_301 = arith.constant 0 : i32
      %dma_start3A_302 = arith.constant 128 : i32
      %dma_start3A_303 = tpu.memref_slice %arg14[%dma_start3A_301, %dma_start3A_302] : memref<112x384xf32, #tpu.memory_space<vmem>> -> memref<112x128xf32, #tpu.memory_space<vmem>>
      %dma_start3A_304 = arith.constant 0 : i32
      %dma_start3A_305 = arith.constant 0 : i32
      %dma_start3A_306 = tpu.memref_slice %arg3[%dma_start3A_304, %dma_start3A_305] : memref<3072x128xf32, #tpu.memory_space<hbm>> -> memref<3072x128xf32, #tpu.memory_space<hbm>>
      tpu.enqueue_indirect_dma source(%dma_start3A_306 : memref<3072x128xf32, #tpu.memory_space<hbm>>) target(%dma_start3A_303 : memref<112x128xf32, #tpu.memory_space<vmem>>) offsets(%arg9 : memref<112xi32, #tpu.memory_space<vmem>>) semaphore(%arg16 : memref<!tpu.dma_semaphore, #tpu.memory_space<semaphore_mem>>)
      %dma_start3A_307 = arith.constant 0 : i32
      %dma_start3A_308 = arith.constant 256 : i32
      %dma_start3A_309 = tpu.memref_slice %arg14[%dma_start3A_307, %dma_start3A_308] : memref<112x384xf32, #tpu.memory_space<vmem>> -> memref<112x128xf32, #tpu.memory_space<vmem>>
      %dma_start3A_310 = arith.constant 0 : i32
      %dma_start3A_311 = arith.constant 0 : i32
      %dma_start3A_312 = tpu.memref_slice %arg3[%dma_start3A_310, %dma_start3A_311] : memref<3072x128xf32, #tpu.memory_space<hbm>> -> memref<3072x128xf32, #tpu.memory_space<hbm>>
      tpu.enqueue_indirect_dma source(%dma_start3A_312 : memref<3072x128xf32, #tpu.memory_space<hbm>>) target(%dma_start3A_309 : memref<112x128xf32, #tpu.memory_space<vmem>>) offsets(%arg10 : memref<112xi32, #tpu.memory_space<vmem>>) semaphore(%arg16 : memref<!tpu.dma_semaphore, #tpu.memory_space<semaphore_mem>>)
      %dma_wait3A_313 = arith.constant 0 : i32
      %dma_wait3A_314 = arith.constant 0 : i32
      %dma_wait3A_315 = tpu.memref_slice %arg14[%dma_wait3A_313, %dma_wait3A_314] : memref<112x384xf32, #tpu.memory_space<vmem>> -> memref<112x128xf32, #tpu.memory_space<vmem>>
      %dma_wait3A_316 = arith.constant 0 : i32
      %dma_wait3A_317 = arith.constant 0 : i32
      %dma_wait3A_318 = tpu.memref_slice %arg3[%dma_wait3A_316, %dma_wait3A_317] : memref<3072x128xf32, #tpu.memory_space<hbm>> -> memref<3072x128xf32, #tpu.memory_space<hbm>>
      tpu.wait_indirect_dma semaphore(%arg16 : memref<!tpu.dma_semaphore, #tpu.memory_space<semaphore_mem>>) src(%dma_wait3A_318 : memref<3072x128xf32, #tpu.memory_space<hbm>>) dst(%dma_wait3A_315 : memref<112x128xf32, #tpu.memory_space<vmem>>)
      %dma_wait3A_319 = arith.constant 0 : i32
      %dma_wait3A_320 = arith.constant 128 : i32
      %dma_wait3A_321 = tpu.memref_slice %arg14[%dma_wait3A_319, %dma_wait3A_320] : memref<112x384xf32, #tpu.memory_space<vmem>> -> memref<112x128xf32, #tpu.memory_space<vmem>>
      %dma_wait3A_322 = arith.constant 0 : i32
      %dma_wait3A_323 = arith.constant 0 : i32
      %dma_wait3A_324 = tpu.memref_slice %arg3[%dma_wait3A_322, %dma_wait3A_323] : memref<3072x128xf32, #tpu.memory_space<hbm>> -> memref<3072x128xf32, #tpu.memory_space<hbm>>
      tpu.wait_indirect_dma semaphore(%arg16 : memref<!tpu.dma_semaphore, #tpu.memory_space<semaphore_mem>>) src(%dma_wait3A_324 : memref<3072x128xf32, #tpu.memory_space<hbm>>) dst(%dma_wait3A_321 : memref<112x128xf32, #tpu.memory_space<vmem>>)
      %dma_wait3A_325 = arith.constant 0 : i32
      %dma_wait3A_326 = arith.constant 256 : i32
      %dma_wait3A_327 = tpu.memref_slice %arg14[%dma_wait3A_325, %dma_wait3A_326] : memref<112x384xf32, #tpu.memory_space<vmem>> -> memref<112x128xf32, #tpu.memory_space<vmem>>
      %dma_wait3A_328 = arith.constant 0 : i32
      %dma_wait3A_329 = arith.constant 0 : i32
      %dma_wait3A_330 = tpu.memref_slice %arg3[%dma_wait3A_328, %dma_wait3A_329] : memref<3072x128xf32, #tpu.memory_space<hbm>> -> memref<3072x128xf32, #tpu.memory_space<hbm>>
      tpu.wait_indirect_dma semaphore(%arg16 : memref<!tpu.dma_semaphore, #tpu.memory_space<semaphore_mem>>) src(%dma_wait3A_330 : memref<3072x128xf32, #tpu.memory_space<hbm>>) dst(%dma_wait3A_327 : memref<112x128xf32, #tpu.memory_space<vmem>>)
      %mul3A_331 = arith.constant 2 : i32
      %mul3A_332 = arith.muli %scan3A_48, %mul3A_331 : i32
      %mul3A_333 = arith.constant 112 : i32
      %mul3A_334 = arith.muli %mul3A_332, %mul3A_333 : i32
      %dma_start3A_335 = arith.constant 0 : i32
      %dma_start3A_336 = tpu.memref_slice %arg4[%add3A, %mul3A_334, %dma_start3A_335] : memref<32x3136x384xf32, #tpu.memory_space<hbm>> -> memref<1x112x384xf32, #tpu.memory_space<hbm>>
      %dma_start3A_337 = tpu.memref_squeeze %dma_start3A_336 : memref<1x112x384xf32, #tpu.memory_space<hbm>> -> memref<112x384xf32, #tpu.memory_space<hbm>>
      %dma_start3A_338 = arith.constant 0 : i32
      %dma_start3A_339 = tpu.memref_slice %arg4[%add3A, %mul3A_334, %dma_start3A_338] : memref<32x3136x384xf32, #tpu.memory_space<hbm>> -> memref<1x112x384xf32, #tpu.memory_space<hbm>>
      %dma_start3A_340 = tpu.memref_squeeze %dma_start3A_339 : memref<1x112x384xf32, #tpu.memory_space<hbm>> -> memref<112x384xf32, #tpu.memory_space<hbm>>
      tpu.enqueue_dma source(%arg14 : memref<112x384xf32, #tpu.memory_space<vmem>>) target(%dma_start3A_340 : memref<112x384xf32, #tpu.memory_space<hbm>>) target_semaphore(%arg18 : memref<!tpu.dma_semaphore, #tpu.memory_space<semaphore_mem>>)
      %gt3A_341 = arith.constant 0 : i32
      %gt3A_342 = arith.cmpi sgt, %scan3A_48, %gt3A_341 : i32
      %convert_element_type3A_343 = arith.extui %gt3A_342 : i1 to i32
      %cond3A_344 = arith.constant 0 : i32
      %cond3A_345 = arith.cmpi ne, %convert_element_type3A_343, %cond3A_344 : i32
      scf.if %cond3A_345 {
        %dma_wait3A_610 = arith.constant 0 : i32
        %dma_wait3A_611 = arith.constant 0 : i32
        %dma_wait3A_612 = tpu.memref_slice %arg4[%add3A, %dma_wait3A_610, %dma_wait3A_611] : memref<32x3136x384xf32, #tpu.memory_space<hbm>> -> memref<1x112x384xf32, #tpu.memory_space<hbm>>
        %dma_wait3A_613 = tpu.memref_squeeze %dma_wait3A_612 : memref<1x112x384xf32, #tpu.memory_space<hbm>> -> memref<112x384xf32, #tpu.memory_space<hbm>>
        %dma_wait3A_614 = arith.constant 0 : i32
        %dma_wait3A_615 = arith.constant 0 : i32
        %dma_wait3A_616 = tpu.memref_slice %arg4[%add3A, %dma_wait3A_614, %dma_wait3A_615] : memref<32x3136x384xf32, #tpu.memory_space<hbm>> -> memref<1x112x384xf32, #tpu.memory_space<hbm>>
        %dma_wait3A_617 = tpu.memref_squeeze %dma_wait3A_616 : memref<1x112x384xf32, #tpu.memory_space<hbm>> -> memref<112x384xf32, #tpu.memory_space<hbm>>
        tpu.wait_dma2 semaphore(%arg19 : memref<!tpu.dma_semaphore, #tpu.memory_space<semaphore_mem>>) src(%arg15 : memref<112x384xf32, #tpu.memory_space<vmem>>) dst(%dma_wait3A_617 : memref<112x384xf32, #tpu.memory_space<hbm>>)
      } else {
      }
      %mul3A_346 = arith.constant 2 : i32
      %mul3A_347 = arith.muli %scan3A_48, %mul3A_346 : i32
      %add3A_348 = arith.constant 1 : i32
      %add3A_349 = arith.addi %mul3A_347, %add3A_348 : i32
      %mul3A_350 = arith.constant 2 : i32
      %mul3A_351 = arith.muli %add3A_349, %mul3A_350 : i32
      %add3A_352 = arith.constant 0 : i32
      %add3A_353 = arith.addi %mul3A_351, %add3A_352 : i32
      %get3A_354 = arith.index_cast %add3A_353 : i32 to index
      %get3A_355 = arith.constant 0 : index
      %get3A_356 = tpu.vector_load %arg5[%get3A_354, %get3A_355] {strides = array<i32>} : memref<56x56xi32, #tpu.memory_space<vmem>>, vector<16xi32>,
      %add3A_357 = arith.constant 0 : i32
      %add3A_358 = vector.broadcast %add3A_357 : i32 to vector<16xi32>
      %add3A_359 = arith.addi %get3A_356, %add3A_358 : vector<16xi32>
      %swap3A_360 = arith.constant 0 : index
      %swap3A_361 = tpu.vector_load %arg11[%swap3A_360] {strides = array<i32>} : memref<112xi32, #tpu.memory_space<vmem>>, vector<16xi32>,
      tpu.vector_store %arg11[%swap3A_360], %add3A_359 {strides = array<i32>} : memref<112xi32, #tpu.memory_space<vmem>>, vector<16xi32>,
      %add3A_362 = arith.constant 0 : i32
      %add3A_363 = arith.addi %mul3A_351, %add3A_362 : i32
      %get3A_364 = arith.index_cast %add3A_363 : i32 to index
      %get3A_365 = arith.constant 16 : index
      %get3A_366 = tpu.vector_load %arg5[%get3A_364, %get3A_365] {strides = array<i32>} : memref<56x56xi32, #tpu.memory_space<vmem>>, vector<16xi32>,
      %add3A_367 = arith.constant 0 : i32
      %add3A_368 = vector.broadcast %add3A_367 : i32 to vector<16xi32>
      %add3A_369 = arith.addi %get3A_366, %add3A_368 : vector<16xi32>
      %swap3A_370 = arith.constant 16 : index
      %swap3A_371 = tpu.vector_load %arg11[%swap3A_370] {strides = array<i32>} : memref<112xi32, #tpu.memory_space<vmem>>, vector<16xi32>,
      tpu.vector_store %arg11[%swap3A_370], %add3A_369 {strides = array<i32>} : memref<112xi32, #tpu.memory_space<vmem>>, vector<16xi32>,
      %add3A_372 = arith.constant 0 : i32
      %add3A_373 = arith.addi %mul3A_351, %add3A_372 : i32
      %get3A_374 = arith.index_cast %add3A_373 : i32 to index
      %get3A_375 = arith.constant 32 : index
      %get3A_376 = tpu.vector_load %arg5[%get3A_374, %get3A_375] {strides = array<i32>} : memref<56x56xi32, #tpu.memory_space<vmem>>, vector<16xi32>,
      %add3A_377 = arith.constant 0 : i32
      %add3A_378 = vector.broadcast %add3A_377 : i32 to vector<16xi32>
      %add3A_379 = arith.addi %get3A_376, %add3A_378 : vector<16xi32>
      %swap3A_380 = arith.constant 32 : index
      %swap3A_381 = tpu.vector_load %arg11[%swap3A_380] {strides = array<i32>} : memref<112xi32, #tpu.memory_space<vmem>>, vector<16xi32>,
      tpu.vector_store %arg11[%swap3A_380], %add3A_379 {strides = array<i32>} : memref<112xi32, #tpu.memory_space<vmem>>, vector<16xi32>,
      %add3A_382 = arith.constant 0 : i32
      %add3A_383 = arith.addi %mul3A_351, %add3A_382 : i32
      %get3A_384 = arith.index_cast %add3A_383 : i32 to index
      %get3A_385 = arith.constant 40 : index
      %get3A_386 = tpu.vector_load %arg5[%get3A_384, %get3A_385] {strides = array<i32>} : memref<56x56xi32, #tpu.memory_space<vmem>>, vector<16xi32>,
      %add3A_387 = arith.constant 0 : i32
      %add3A_388 = vector.broadcast %add3A_387 : i32 to vector<16xi32>
      %add3A_389 = arith.addi %get3A_386, %add3A_388 : vector<16xi32>
      %swap3A_390 = arith.constant 40 : index
      %swap3A_391 = tpu.vector_load %arg11[%swap3A_390] {strides = array<i32>} : memref<112xi32, #tpu.memory_space<vmem>>, vector<16xi32>,
      tpu.vector_store %arg11[%swap3A_390], %add3A_389 {strides = array<i32>} : memref<112xi32, #tpu.memory_space<vmem>>, vector<16xi32>,
      %add3A_392 = arith.constant 1 : i32
      %add3A_393 = arith.addi %mul3A_351, %add3A_392 : i32
      %get3A_394 = arith.index_cast %add3A_393 : i32 to index
      %get3A_395 = arith.constant 0 : index
      %get3A_396 = tpu.vector_load %arg5[%get3A_394, %get3A_395] {strides = array<i32>} : memref<56x56xi32, #tpu.memory_space<vmem>>, vector<16xi32>,
      %add3A_397 = arith.constant 0 : i32
      %add3A_398 = vector.broadcast %add3A_397 : i32 to vector<16xi32>
      %add3A_399 = arith.addi %get3A_396, %add3A_398 : vector<16xi32>
      %swap3A_400 = arith.constant 56 : index
      %swap3A_401 = tpu.vector_load %arg11[%swap3A_400] {strides = array<i32>} : memref<112xi32, #tpu.memory_space<vmem>>, vector<16xi32>,
      tpu.vector_store %arg11[%swap3A_400], %add3A_399 {strides = array<i32>} : memref<112xi32, #tpu.memory_space<vmem>>, vector<16xi32>,
      %add3A_402 = arith.constant 1 : i32
      %add3A_403 = arith.addi %mul3A_351, %add3A_402 : i32
      %get3A_404 = arith.index_cast %add3A_403 : i32 to index
      %get3A_405 = arith.constant 16 : index
      %get3A_406 = tpu.vector_load %arg5[%get3A_404, %get3A_405] {strides = array<i32>} : memref<56x56xi32, #tpu.memory_space<vmem>>, vector<16xi32>,
      %add3A_407 = arith.constant 0 : i32
      %add3A_408 = vector.broadcast %add3A_407 : i32 to vector<16xi32>
      %add3A_409 = arith.addi %get3A_406, %add3A_408 : vector<16xi32>
      %swap3A_410 = arith.constant 72 : index
      %swap3A_411 = tpu.vector_load %arg11[%swap3A_410] {strides = array<i32>} : memref<112xi32, #tpu.memory_space<vmem>>, vector<16xi32>,
      tpu.vector_store %arg11[%swap3A_410], %add3A_409 {strides = array<i32>} : memref<112xi32, #tpu.memory_space<vmem>>, vector<16xi32>,
      %add3A_412 = arith.constant 1 : i32
      %add3A_413 = arith.addi %mul3A_351, %add3A_412 : i32
      %get3A_414 = arith.index_cast %add3A_413 : i32 to index
      %get3A_415 = arith.constant 32 : index
      %get3A_416 = tpu.vector_load %arg5[%get3A_414, %get3A_415] {strides = array<i32>} : memref<56x56xi32, #tpu.memory_space<vmem>>, vector<16xi32>,
      %add3A_417 = arith.constant 0 : i32
      %add3A_418 = vector.broadcast %add3A_417 : i32 to vector<16xi32>
      %add3A_419 = arith.addi %get3A_416, %add3A_418 : vector<16xi32>
      %swap3A_420 = arith.constant 88 : index
      %swap3A_421 = tpu.vector_load %arg11[%swap3A_420] {strides = array<i32>} : memref<112xi32, #tpu.memory_space<vmem>>, vector<16xi32>,
      tpu.vector_store %arg11[%swap3A_420], %add3A_419 {strides = array<i32>} : memref<112xi32, #tpu.memory_space<vmem>>, vector<16xi32>,
      %add3A_422 = arith.constant 1 : i32
      %add3A_423 = arith.addi %mul3A_351, %add3A_422 : i32
      %get3A_424 = arith.index_cast %add3A_423 : i32 to index
      %get3A_425 = arith.constant 40 : index
      %get3A_426 = tpu.vector_load %arg5[%get3A_424, %get3A_425] {strides = array<i32>} : memref<56x56xi32, #tpu.memory_space<vmem>>, vector<16xi32>,
      %add3A_427 = arith.constant 0 : i32
      %add3A_428 = vector.broadcast %add3A_427 : i32 to vector<16xi32>
      %add3A_429 = arith.addi %get3A_426, %add3A_428 : vector<16xi32>
      %swap3A_430 = arith.constant 96 : index
      %swap3A_431 = tpu.vector_load %arg11[%swap3A_430] {strides = array<i32>} : memref<112xi32, #tpu.memory_space<vmem>>, vector<16xi32>,
      tpu.vector_store %arg11[%swap3A_430], %add3A_429 {strides = array<i32>} : memref<112xi32, #tpu.memory_space<vmem>>, vector<16xi32>,
      %add3A_432 = arith.constant 0 : i32
      %add3A_433 = arith.addi %mul3A_351, %add3A_432 : i32
      %get3A_434 = arith.index_cast %add3A_433 : i32 to index
      %get3A_435 = arith.constant 0 : index
      %get3A_436 = tpu.vector_load %arg6[%get3A_434, %get3A_435] {strides = array<i32>} : memref<56x56xi32, #tpu.memory_space<vmem>>, vector<16xi32>,
      %add3A_437 = arith.constant 1024 : i32
      %add3A_438 = vector.broadcast %add3A_437 : i32 to vector<16xi32>
      %add3A_439 = arith.addi %get3A_436, %add3A_438 : vector<16xi32>
      %swap3A_440 = arith.constant 0 : index
      %swap3A_441 = tpu.vector_load %arg12[%swap3A_440] {strides = array<i32>} : memref<112xi32, #tpu.memory_space<vmem>>, vector<16xi32>,
      tpu.vector_store %arg12[%swap3A_440], %add3A_439 {strides = array<i32>} : memref<112xi32, #tpu.memory_space<vmem>>, vector<16xi32>,
      %add3A_442 = arith.constant 0 : i32
      %add3A_443 = arith.addi %mul3A_351, %add3A_442 : i32
      %get3A_444 = arith.index_cast %add3A_443 : i32 to index
      %get3A_445 = arith.constant 16 : index
      %get3A_446 = tpu.vector_load %arg6[%get3A_444, %get3A_445] {strides = array<i32>} : memref<56x56xi32, #tpu.memory_space<vmem>>, vector<16xi32>,
      %add3A_447 = arith.constant 1024 : i32
      %add3A_448 = vector.broadcast %add3A_447 : i32 to vector<16xi32>
      %add3A_449 = arith.addi %get3A_446, %add3A_448 : vector<16xi32>
      %swap3A_450 = arith.constant 16 : index
      %swap3A_451 = tpu.vector_load %arg12[%swap3A_450] {strides = array<i32>} : memref<112xi32, #tpu.memory_space<vmem>>, vector<16xi32>,
      tpu.vector_store %arg12[%swap3A_450], %add3A_449 {strides = array<i32>} : memref<112xi32, #tpu.memory_space<vmem>>, vector<16xi32>,
      %add3A_452 = arith.constant 0 : i32
      %add3A_453 = arith.addi %mul3A_351, %add3A_452 : i32
      %get3A_454 = arith.index_cast %add3A_453 : i32 to index
      %get3A_455 = arith.constant 32 : index
      %get3A_456 = tpu.vector_load %arg6[%get3A_454, %get3A_455] {strides = array<i32>} : memref<56x56xi32, #tpu.memory_space<vmem>>, vector<16xi32>,
      %add3A_457 = arith.constant 1024 : i32
      %add3A_458 = vector.broadcast %add3A_457 : i32 to vector<16xi32>
      %add3A_459 = arith.addi %get3A_456, %add3A_458 : vector<16xi32>
      %swap3A_460 = arith.constant 32 : index
      %swap3A_461 = tpu.vector_load %arg12[%swap3A_460] {strides = array<i32>} : memref<112xi32, #tpu.memory_space<vmem>>, vector<16xi32>,
      tpu.vector_store %arg12[%swap3A_460], %add3A_459 {strides = array<i32>} : memref<112xi32, #tpu.memory_space<vmem>>, vector<16xi32>,
      %add3A_462 = arith.constant 0 : i32
      %add3A_463 = arith.addi %mul3A_351, %add3A_462 : i32
      %get3A_464 = arith.index_cast %add3A_463 : i32 to index
      %get3A_465 = arith.constant 40 : index
      %get3A_466 = tpu.vector_load %arg6[%get3A_464, %get3A_465] {strides = array<i32>} : memref<56x56xi32, #tpu.memory_space<vmem>>, vector<16xi32>,
      %add3A_467 = arith.constant 1024 : i32
      %add3A_468 = vector.broadcast %add3A_467 : i32 to vector<16xi32>
      %add3A_469 = arith.addi %get3A_466, %add3A_468 : vector<16xi32>
      %swap3A_470 = arith.constant 40 : index
      %swap3A_471 = tpu.vector_load %arg12[%swap3A_470] {strides = array<i32>} : memref<112xi32, #tpu.memory_space<vmem>>, vector<16xi32>,
      tpu.vector_store %arg12[%swap3A_470], %add3A_469 {strides = array<i32>} : memref<112xi32, #tpu.memory_space<vmem>>, vector<16xi32>,
      %add3A_472 = arith.constant 1 : i32
      %add3A_473 = arith.addi %mul3A_351, %add3A_472 : i32
      %get3A_474 = arith.index_cast %add3A_473 : i32 to index
      %get3A_475 = arith.constant 0 : index
      %get3A_476 = tpu.vector_load %arg6[%get3A_474, %get3A_475] {strides = array<i32>} : memref<56x56xi32, #tpu.memory_space<vmem>>, vector<16xi32>,
      %add3A_477 = arith.constant 1024 : i32
      %add3A_478 = vector.broadcast %add3A_477 : i32 to vector<16xi32>
      %add3A_479 = arith.addi %get3A_476, %add3A_478 : vector<16xi32>
      %swap3A_480 = arith.constant 56 : index
      %swap3A_481 = tpu.vector_load %arg12[%swap3A_480] {strides = array<i32>} : memref<112xi32, #tpu.memory_space<vmem>>, vector<16xi32>,
      tpu.vector_store %arg12[%swap3A_480], %add3A_479 {strides = array<i32>} : memref<112xi32, #tpu.memory_space<vmem>>, vector<16xi32>,
      %add3A_482 = arith.constant 1 : i32
      %add3A_483 = arith.addi %mul3A_351, %add3A_482 : i32
      %get3A_484 = arith.index_cast %add3A_483 : i32 to index
      %get3A_485 = arith.constant 16 : index
      %get3A_486 = tpu.vector_load %arg6[%get3A_484, %get3A_485] {strides = array<i32>} : memref<56x56xi32, #tpu.memory_space<vmem>>, vector<16xi32>,
      %add3A_487 = arith.constant 1024 : i32
      %add3A_488 = vector.broadcast %add3A_487 : i32 to vector<16xi32>
      %add3A_489 = arith.addi %get3A_486, %add3A_488 : vector<16xi32>
      %swap3A_490 = arith.constant 72 : index
      %swap3A_491 = tpu.vector_load %arg12[%swap3A_490] {strides = array<i32>} : memref<112xi32, #tpu.memory_space<vmem>>, vector<16xi32>,
      tpu.vector_store %arg12[%swap3A_490], %add3A_489 {strides = array<i32>} : memref<112xi32, #tpu.memory_space<vmem>>, vector<16xi32>,
      %add3A_492 = arith.constant 1 : i32
      %add3A_493 = arith.addi %mul3A_351, %add3A_492 : i32
      %get3A_494 = arith.index_cast %add3A_493 : i32 to index
      %get3A_495 = arith.constant 32 : index
      %get3A_496 = tpu.vector_load %arg6[%get3A_494, %get3A_495] {strides = array<i32>} : memref<56x56xi32, #tpu.memory_space<vmem>>, vector<16xi32>,
      %add3A_497 = arith.constant 1024 : i32
      %add3A_498 = vector.broadcast %add3A_497 : i32 to vector<16xi32>
      %add3A_499 = arith.addi %get3A_496, %add3A_498 : vector<16xi32>
      %swap3A_500 = arith.constant 88 : index
      %swap3A_501 = tpu.vector_load %arg12[%swap3A_500] {strides = array<i32>} : memref<112xi32, #tpu.memory_space<vmem>>, vector<16xi32>,
      tpu.vector_store %arg12[%swap3A_500], %add3A_499 {strides = array<i32>} : memref<112xi32, #tpu.memory_space<vmem>>, vector<16xi32>,
      %add3A_502 = arith.constant 1 : i32
      %add3A_503 = arith.addi %mul3A_351, %add3A_502 : i32
      %get3A_504 = arith.index_cast %add3A_503 : i32 to index
      %get3A_505 = arith.constant 40 : index
      %get3A_506 = tpu.vector_load %arg6[%get3A_504, %get3A_505] {strides = array<i32>} : memref<56x56xi32, #tpu.memory_space<vmem>>, vector<16xi32>,
      %add3A_507 = arith.constant 1024 : i32
      %add3A_508 = vector.broadcast %add3A_507 : i32 to vector<16xi32>
      %add3A_509 = arith.addi %get3A_506, %add3A_508 : vector<16xi32>
      %swap3A_510 = arith.constant 96 : index
      %swap3A_511 = tpu.vector_load %arg12[%swap3A_510] {strides = array<i32>} : memref<112xi32, #tpu.memory_space<vmem>>, vector<16xi32>,
      tpu.vector_store %arg12[%swap3A_510], %add3A_509 {strides = array<i32>} : memref<112xi32, #tpu.memory_space<vmem>>, vector<16xi32>,
      %add3A_512 = arith.constant 0 : i32
      %add3A_513 = arith.addi %mul3A_351, %add3A_512 : i32
      %get3A_514 = arith.index_cast %add3A_513 : i32 to index
      %get3A_515 = arith.constant 0 : index
      %get3A_516 = tpu.vector_load %arg7[%get3A_514, %get3A_515] {strides = array<i32>} : memref<56x56xi32, #tpu.memory_space<vmem>>, vector<16xi32>,
      %add3A_517 = arith.constant 2048 : i32
      %add3A_518 = vector.broadcast %add3A_517 : i32 to vector<16xi32>
      %add3A_519 = arith.addi %get3A_516, %add3A_518 : vector<16xi32>
      %swap3A_520 = arith.constant 0 : index
      %swap3A_521 = tpu.vector_load %arg13[%swap3A_520] {strides = array<i32>} : memref<112xi32, #tpu.memory_space<vmem>>, vector<16xi32>,
      tpu.vector_store %arg13[%swap3A_520], %add3A_519 {strides = array<i32>} : memref<112xi32, #tpu.memory_space<vmem>>, vector<16xi32>,
      %add3A_522 = arith.constant 0 : i32
      %add3A_523 = arith.addi %mul3A_351, %add3A_522 : i32
      %get3A_524 = arith.index_cast %add3A_523 : i32 to index
      %get3A_525 = arith.constant 16 : index
      %get3A_526 = tpu.vector_load %arg7[%get3A_524, %get3A_525] {strides = array<i32>} : memref<56x56xi32, #tpu.memory_space<vmem>>, vector<16xi32>,
      %add3A_527 = arith.constant 2048 : i32
      %add3A_528 = vector.broadcast %add3A_527 : i32 to vector<16xi32>
      %add3A_529 = arith.addi %get3A_526, %add3A_528 : vector<16xi32>
      %swap3A_530 = arith.constant 16 : index
      %swap3A_531 = tpu.vector_load %arg13[%swap3A_530] {strides = array<i32>} : memref<112xi32, #tpu.memory_space<vmem>>, vector<16xi32>,
      tpu.vector_store %arg13[%swap3A_530], %add3A_529 {strides = array<i32>} : memref<112xi32, #tpu.memory_space<vmem>>, vector<16xi32>,
      %add3A_532 = arith.constant 0 : i32
      %add3A_533 = arith.addi %mul3A_351, %add3A_532 : i32
      %get3A_534 = arith.index_cast %add3A_533 : i32 to index
      %get3A_535 = arith.constant 32 : index
      %get3A_536 = tpu.vector_load %arg7[%get3A_534, %get3A_535] {strides = array<i32>} : memref<56x56xi32, #tpu.memory_space<vmem>>, vector<16xi32>,
      %add3A_537 = arith.constant 2048 : i32
      %add3A_538 = vector.broadcast %add3A_537 : i32 to vector<16xi32>
      %add3A_539 = arith.addi %get3A_536, %add3A_538 : vector<16xi32>
      %swap3A_540 = arith.constant 32 : index
      %swap3A_541 = tpu.vector_load %arg13[%swap3A_540] {strides = array<i32>} : memref<112xi32, #tpu.memory_space<vmem>>, vector<16xi32>,
      tpu.vector_store %arg13[%swap3A_540], %add3A_539 {strides = array<i32>} : memref<112xi32, #tpu.memory_space<vmem>>, vector<16xi32>,
      %add3A_542 = arith.constant 0 : i32
      %add3A_543 = arith.addi %mul3A_351, %add3A_542 : i32
      %get3A_544 = arith.index_cast %add3A_543 : i32 to index
      %get3A_545 = arith.constant 40 : index
      %get3A_546 = tpu.vector_load %arg7[%get3A_544, %get3A_545] {strides = array<i32>} : memref<56x56xi32, #tpu.memory_space<vmem>>, vector<16xi32>,
      %add3A_547 = arith.constant 2048 : i32
      %add3A_548 = vector.broadcast %add3A_547 : i32 to vector<16xi32>
      %add3A_549 = arith.addi %get3A_546, %add3A_548 : vector<16xi32>
      %swap3A_550 = arith.constant 40 : index
      %swap3A_551 = tpu.vector_load %arg13[%swap3A_550] {strides = array<i32>} : memref<112xi32, #tpu.memory_space<vmem>>, vector<16xi32>,
      tpu.vector_store %arg13[%swap3A_550], %add3A_549 {strides = array<i32>} : memref<112xi32, #tpu.memory_space<vmem>>, vector<16xi32>,
      %add3A_552 = arith.constant 1 : i32
      %add3A_553 = arith.addi %mul3A_351, %add3A_552 : i32
      %get3A_554 = arith.index_cast %add3A_553 : i32 to index
      %get3A_555 = arith.constant 0 : index
      %get3A_556 = tpu.vector_load %arg7[%get3A_554, %get3A_555] {strides = array<i32>} : memref<56x56xi32, #tpu.memory_space<vmem>>, vector<16xi32>,
      %add3A_557 = arith.constant 2048 : i32
      %add3A_558 = vector.broadcast %add3A_557 : i32 to vector<16xi32>
      %add3A_559 = arith.addi %get3A_556, %add3A_558 : vector<16xi32>
      %swap3A_560 = arith.constant 56 : index
      %swap3A_561 = tpu.vector_load %arg13[%swap3A_560] {strides = array<i32>} : memref<112xi32, #tpu.memory_space<vmem>>, vector<16xi32>,
      tpu.vector_store %arg13[%swap3A_560], %add3A_559 {strides = array<i32>} : memref<112xi32, #tpu.memory_space<vmem>>, vector<16xi32>,
      %add3A_562 = arith.constant 1 : i32
      %add3A_563 = arith.addi %mul3A_351, %add3A_562 : i32
      %get3A_564 = arith.index_cast %add3A_563 : i32 to index
      %get3A_565 = arith.constant 16 : index
      %get3A_566 = tpu.vector_load %arg7[%get3A_564, %get3A_565] {strides = array<i32>} : memref<56x56xi32, #tpu.memory_space<vmem>>, vector<16xi32>,
      %add3A_567 = arith.constant 2048 : i32
      %add3A_568 = vector.broadcast %add3A_567 : i32 to vector<16xi32>
      %add3A_569 = arith.addi %get3A_566, %add3A_568 : vector<16xi32>
      %swap3A_570 = arith.constant 72 : index
      %swap3A_571 = tpu.vector_load %arg13[%swap3A_570] {strides = array<i32>} : memref<112xi32, #tpu.memory_space<vmem>>, vector<16xi32>,
      tpu.vector_store %arg13[%swap3A_570], %add3A_569 {strides = array<i32>} : memref<112xi32, #tpu.memory_space<vmem>>, vector<16xi32>,
      %add3A_572 = arith.constant 1 : i32
      %add3A_573 = arith.addi %mul3A_351, %add3A_572 : i32
      %get3A_574 = arith.index_cast %add3A_573 : i32 to index
      %get3A_575 = arith.constant 32 : index
      %get3A_576 = tpu.vector_load %arg7[%get3A_574, %get3A_575] {strides = array<i32>} : memref<56x56xi32, #tpu.memory_space<vmem>>, vector<16xi32>,
      %add3A_577 = arith.constant 2048 : i32
      %add3A_578 = vector.broadcast %add3A_577 : i32 to vector<16xi32>
      %add3A_579 = arith.addi %get3A_576, %add3A_578 : vector<16xi32>
      %swap3A_580 = arith.constant 88 : index
      %swap3A_581 = tpu.vector_load %arg13[%swap3A_580] {strides = array<i32>} : memref<112xi32, #tpu.memory_space<vmem>>, vector<16xi32>,
      tpu.vector_store %arg13[%swap3A_580], %add3A_579 {strides = array<i32>} : memref<112xi32, #tpu.memory_space<vmem>>, vector<16xi32>,
      %add3A_582 = arith.constant 1 : i32
      %add3A_583 = arith.addi %mul3A_351, %add3A_582 : i32
      %get3A_584 = arith.index_cast %add3A_583 : i32 to index
      %get3A_585 = arith.constant 40 : index
      %get3A_586 = tpu.vector_load %arg7[%get3A_584, %get3A_585] {strides = array<i32>} : memref<56x56xi32, #tpu.memory_space<vmem>>, vector<16xi32>,
      %add3A_587 = arith.constant 2048 : i32
      %add3A_588 = vector.broadcast %add3A_587 : i32 to vector<16xi32>
      %add3A_589 = arith.addi %get3A_586, %add3A_588 : vector<16xi32>
      %swap3A_590 = arith.constant 96 : index
      %swap3A_591 = tpu.vector_load %arg13[%swap3A_590] {strides = array<i32>} : memref<112xi32, #tpu.memory_space<vmem>>, vector<16xi32>,
      tpu.vector_store %arg13[%swap3A_590], %add3A_589 {strides = array<i32>} : memref<112xi32, #tpu.memory_space<vmem>>, vector<16xi32>,
      %dma_start3A_592 = arith.constant 0 : i32
      %dma_start3A_593 = arith.constant 0 : i32
      %dma_start3A_594 = tpu.memref_slice %arg15[%dma_start3A_592, %dma_start3A_593] : memref<112x384xf32, #tpu.memory_space<vmem>> -> memref<112x128xf32, #tpu.memory_space<vmem>>
      %dma_start3A_595 = arith.constant 0 : i32
      %dma_start3A_596 = arith.constant 0 : i32
      %dma_start3A_597 = tpu.memref_slice %arg3[%dma_start3A_595, %dma_start3A_596] : memref<3072x128xf32, #tpu.memory_space<hbm>> -> memref<3072x128xf32, #tpu.memory_space<hbm>>
      tpu.enqueue_indirect_dma source(%dma_start3A_597 : memref<3072x128xf32, #tpu.memory_space<hbm>>) target(%dma_start3A_594 : memref<112x128xf32, #tpu.memory_space<vmem>>) offsets(%arg11 : memref<112xi32, #tpu.memory_space<vmem>>) semaphore(%arg17 : memref<!tpu.dma_semaphore, #tpu.memory_space<semaphore_mem>>)
      %dma_start3A_598 = arith.constant 0 : i32
      %dma_start3A_599 = arith.constant 128 : i32
      %dma_start3A_600 = tpu.memref_slice %arg15[%dma_start3A_598, %dma_start3A_599] : memref<112x384xf32, #tpu.memory_space<vmem>> -> memref<112x128xf32, #tpu.memory_space<vmem>>
      %dma_start3A_601 = arith.constant 0 : i32
      %dma_start3A_602 = arith.constant 0 : i32
      %dma_start3A_603 = tpu.memref_slice %arg3[%dma_start3A_601, %dma_start3A_602] : memref<3072x128xf32, #tpu.memory_space<hbm>> -> memref<3072x128xf32, #tpu.memory_space<hbm>>
      tpu.enqueue_indirect_dma source(%dma_start3A_603 : memref<3072x128xf32, #tpu.memory_space<hbm>>) target(%dma_start3A_600 : memref<112x128xf32, #tpu.memory_space<vmem>>) offsets(%arg12 : memref<112xi32, #tpu.memory_space<vmem>>) semaphore(%arg17 : memref<!tpu.dma_semaphore, #tpu.memory_space<semaphore_mem>>)
      %dma_start3A_604 = arith.constant 0 : i32
      %dma_start3A_605 = arith.constant 256 : i32
      %dma_start3A_606 = tpu.memref_slice %arg15[%dma_start3A_604, %dma_start3A_605] : memref<112x384xf32, #tpu.memory_space<vmem>> -> memref<112x128xf32, #tpu.memory_space<vmem>>
      %dma_start3A_607 = arith.constant 0 : i32
      %dma_start3A_608 = arith.constant 0 : i32
      %dma_start3A_609 = tpu.memref_slice %arg3[%dma_start3A_607, %dma_start3A_608] : memref<3072x128xf32, #tpu.memory_space<hbm>> -> memref<3072x128xf32, #tpu.memory_space<hbm>>
      tpu.enqueue_indirect_dma source(%dma_start3A_609 : memref<3072x128xf32, #tpu.memory_space<hbm>>) target(%dma_start3A_606 : memref<112x128xf32, #tpu.memory_space<vmem>>) offsets(%arg13 : memref<112xi32, #tpu.memory_space<vmem>>) semaphore(%arg17 : memref<!tpu.dma_semaphore, #tpu.memory_space<semaphore_mem>>)
    }
    %scan3A_7 = arith.constant 14 : i32
    %dma_wait3A = arith.constant 0 : i32
    %dma_wait3A_8 = arith.constant 0 : i32
    %dma_wait3A_9 = tpu.memref_slice %arg15[%dma_wait3A, %dma_wait3A_8] : memref<112x384xf32, #tpu.memory_space<vmem>> -> memref<112x128xf32, #tpu.memory_space<vmem>>
    %dma_wait3A_10 = arith.constant 0 : i32
    %dma_wait3A_11 = arith.constant 0 : i32
    %dma_wait3A_12 = tpu.memref_slice %arg3[%dma_wait3A_10, %dma_wait3A_11] : memref<3072x128xf32, #tpu.memory_space<hbm>> -> memref<3072x128xf32, #tpu.memory_space<hbm>>
    tpu.wait_indirect_dma semaphore(%arg17 : memref<!tpu.dma_semaphore, #tpu.memory_space<semaphore_mem>>) src(%dma_wait3A_12 : memref<3072x128xf32, #tpu.memory_space<hbm>>) dst(%dma_wait3A_9 : memref<112x128xf32, #tpu.memory_space<vmem>>)
    %dma_wait3A_13 = arith.constant 0 : i32
    %dma_wait3A_14 = arith.constant 128 : i32
    %dma_wait3A_15 = tpu.memref_slice %arg15[%dma_wait3A_13, %dma_wait3A_14] : memref<112x384xf32, #tpu.memory_space<vmem>> -> memref<112x128xf32, #tpu.memory_space<vmem>>
    %dma_wait3A_16 = arith.constant 0 : i32
    %dma_wait3A_17 = arith.constant 0 : i32
    %dma_wait3A_18 = tpu.memref_slice %arg3[%dma_wait3A_16, %dma_wait3A_17] : memref<3072x128xf32, #tpu.memory_space<hbm>> -> memref<3072x128xf32, #tpu.memory_space<hbm>>
    tpu.wait_indirect_dma semaphore(%arg17 : memref<!tpu.dma_semaphore, #tpu.memory_space<semaphore_mem>>) src(%dma_wait3A_18 : memref<3072x128xf32, #tpu.memory_space<hbm>>) dst(%dma_wait3A_15 : memref<112x128xf32, #tpu.memory_space<vmem>>)
    %dma_wait3A_19 = arith.constant 0 : i32
    %dma_wait3A_20 = arith.constant 256 : i32
    %dma_wait3A_21 = tpu.memref_slice %arg15[%dma_wait3A_19, %dma_wait3A_20] : memref<112x384xf32, #tpu.memory_space<vmem>> -> memref<112x128xf32, #tpu.memory_space<vmem>>
    %dma_wait3A_22 = arith.constant 0 : i32
    %dma_wait3A_23 = arith.constant 0 : i32
    %dma_wait3A_24 = tpu.memref_slice %arg3[%dma_wait3A_22, %dma_wait3A_23] : memref<3072x128xf32, #tpu.memory_space<hbm>> -> memref<3072x128xf32, #tpu.memory_space<hbm>>
    tpu.wait_indirect_dma semaphore(%arg17 : memref<!tpu.dma_semaphore, #tpu.memory_space<semaphore_mem>>) src(%dma_wait3A_24 : memref<3072x128xf32, #tpu.memory_space<hbm>>) dst(%dma_wait3A_21 : memref<112x128xf32, #tpu.memory_space<vmem>>)
    %dma_start3A = arith.constant 3024 : i32
    %dma_start3A_25 = arith.constant 0 : i32
    %dma_start3A_26 = tpu.memref_slice %arg4[%add3A, %dma_start3A, %dma_start3A_25] : memref<32x3136x384xf32, #tpu.memory_space<hbm>> -> memref<1x112x384xf32, #tpu.memory_space<hbm>>
    %dma_start3A_27 = tpu.memref_squeeze %dma_start3A_26 : memref<1x112x384xf32, #tpu.memory_space<hbm>> -> memref<112x384xf32, #tpu.memory_space<hbm>>
    %dma_start3A_28 = arith.constant 3024 : i32
    %dma_start3A_29 = arith.constant 0 : i32
    %dma_start3A_30 = tpu.memref_slice %arg4[%add3A, %dma_start3A_28, %dma_start3A_29] : memref<32x3136x384xf32, #tpu.memory_space<hbm>> -> memref<1x112x384xf32, #tpu.memory_space<hbm>>
    %dma_start3A_31 = tpu.memref_squeeze %dma_start3A_30 : memref<1x112x384xf32, #tpu.memory_space<hbm>> -> memref<112x384xf32, #tpu.memory_space<hbm>>
    tpu.enqueue_dma source(%arg15 : memref<112x384xf32, #tpu.memory_space<vmem>>) target(%dma_start3A_31 : memref<112x384xf32, #tpu.memory_space<hbm>>) target_semaphore(%arg19 : memref<!tpu.dma_semaphore, #tpu.memory_space<semaphore_mem>>)
    %dma_wait3A_32 = arith.constant 0 : i32
    %dma_wait3A_33 = arith.constant 0 : i32
    %dma_wait3A_34 = tpu.memref_slice %arg4[%add3A, %dma_wait3A_32, %dma_wait3A_33] : memref<32x3136x384xf32, #tpu.memory_space<hbm>> -> memref<1x112x384xf32, #tpu.memory_space<hbm>>
    %dma_wait3A_35 = tpu.memref_squeeze %dma_wait3A_34 : memref<1x112x384xf32, #tpu.memory_space<hbm>> -> memref<112x384xf32, #tpu.memory_space<hbm>>
    %dma_wait3A_36 = arith.constant 0 : i32
    %dma_wait3A_37 = arith.constant 0 : i32
    %dma_wait3A_38 = tpu.memref_slice %arg4[%add3A, %dma_wait3A_36, %dma_wait3A_37] : memref<32x3136x384xf32, #tpu.memory_space<hbm>> -> memref<1x112x384xf32, #tpu.memory_space<hbm>>
    %dma_wait3A_39 = tpu.memref_squeeze %dma_wait3A_38 : memref<1x112x384xf32, #tpu.memory_space<hbm>> -> memref<112x384xf32, #tpu.memory_space<hbm>>
    tpu.wait_dma2 semaphore(%arg18 : memref<!tpu.dma_semaphore, #tpu.memory_space<semaphore_mem>>) src(%arg14 : memref<112x384xf32, #tpu.memory_space<vmem>>) dst(%dma_wait3A_39 : memref<112x384xf32, #tpu.memory_space<hbm>>)
    %dma_wait3A_40 = arith.constant 0 : i32
    %dma_wait3A_41 = arith.constant 0 : i32
    %dma_wait3A_42 = tpu.memref_slice %arg4[%add3A, %dma_wait3A_40, %dma_wait3A_41] : memref<32x3136x384xf32, #tpu.memory_space<hbm>> -> memref<1x112x384xf32, #tpu.memory_space<hbm>>
    %dma_wait3A_43 = tpu.memref_squeeze %dma_wait3A_42 : memref<1x112x384xf32, #tpu.memory_space<hbm>> -> memref<112x384xf32, #tpu.memory_space<hbm>>
    %dma_wait3A_44 = arith.constant 0 : i32
    %dma_wait3A_45 = arith.constant 0 : i32
    %dma_wait3A_46 = tpu.memref_slice %arg4[%add3A, %dma_wait3A_44, %dma_wait3A_45] : memref<32x3136x384xf32, #tpu.memory_space<hbm>> -> memref<1x112x384xf32, #tpu.memory_space<hbm>>
    %dma_wait3A_47 = tpu.memref_squeeze %dma_wait3A_46 : memref<1x112x384xf32, #tpu.memory_space<hbm>> -> memref<112x384xf32, #tpu.memory_space<hbm>>
    tpu.wait_dma2 semaphore(%arg19 : memref<!tpu.dma_semaphore, #tpu.memory_space<semaphore_mem>>) src(%arg15 : memref<112x384xf32, #tpu.memory_space<vmem>>) dst(%dma_wait3A_47 : memref<112x384xf32, #tpu.memory_space<hbm>>)
    return
  }
}

</mosaic_0001>

<sc_bundles>
// kernel: _sc_call.3.cloned.1.call-start
scs
__scs_entry_jumppad:
0x0: {  	(pc) =	sbr.rel $0x88, $3  }
0x1: {  	(tag) =	ssettag $0x0;
	lr =	simm.s32 $0x1  }
0x2: {  	[smem:$0x3F9F] =	sst lr;
	_ =	strace $0xD0000000  }
0x3: {  	_ = 	snop  }
0x4: {  	_ = 	snop  }
0x5: {  	_ = 	snop  }
0x6: {  	_ = 	snop  }
0x7: {  	_ = 	snop  }
__scs_overlays_trampoline_lowered:
0x8: {  	[smem:$0x3FAE] =	sst s0  }
0x9: {  	[smem:$0x3FAF] =	sst s1  }
0xa: {  	[smem:$0x3FB0] =	sst s2  }
0xb: {  	[smem:$0x3FB1] =	sst s3  }
0xc: {  	[smem:$0x3FB2] =	sst s4  }
0xd: {  	[smem:$0x3FB3] =	sst s5  }
0xe: {  	[smem:$0x3FB4] =	sst s6  }
0xf: {  	[smem:$0x3FB5] =	sst s7  }
0x10: {  	[smem:$0x3FB6] =	sst s8  }
0x11: {  	[smem:$0x3FB7] =	sst s9;
	s0 =	simm.s32 @!p0 $0x0  }
0x12: {  	s1 =	sld [smem:$0x3F9D];
	s0 =	simm.s32 @p0 $0x1  }
0x13: {  	[smem:$0x3FB8] =	sst s0;
	s0 =	simm.s32 @!p1 $0x0  }
0x14: {  	s2 =	sld [smem:$0x3F9C];
	s0 =	simm.s32 @p1 $0x1  }
0x15: {  	[smem:$0x3FB9] =	sst s0;
	s0 =	simm.s32 @!p2 $0x0  }
0x16: {  	s3 =	sld [smem:$0x3FDB];
	s0 =	simm.s32 @p2 $0x1  }
0x17: {  	s4 =	simm.s32 $0x1BF5;
	[smem:$0x3FBB] =	sst s0  }
0x18: {  	s0 =	sld [smem:$0x3F9E];
	_ =	swait.ge [sflag:s4], $0x0  }
0x19: {  	s7 =	sld [smem:$0x3F9F]  }
0x1a: {  	s8 =	sadd.s32 $0xFFFFE003, lr  }
0x1b: {  	s9 =	sadd.s32 $0xFFFFFEF7, lr;
	s5 =	simm.s32 $0xFFFFFFFF;
	p2 =	slt.u32 s8, $0xFFFFF086  }
0x1c: {  	p1 =	slt.u32 s9, $0xF7A;
	s5 =	simm.s32 @!p2 $0x0  }
0x1d: {  	s5 =	simm.s32 @p1 $0x1;
	p0 =	seq.s32 s7, s2  }
0x1e: {  	s7 =	smul.u32 @!p0 $0xF7A, s2;
	p2 =	seq.s32 @!p0 s5, $0x0  }
0x1f: {  	s9 =	smul.u32 $0xF7A, s1;
	s8 =	simm.s32 @!p0 $0x1BF5;
	p2 =	por !p2, p0  }
0x20: {  	[sflag:s8] =	ssyncset.s32 @!p0 $0xFFFFF086;
	s6 =	sadd.s32 @!p0 s3, s7;
	s7 =	simm.s32 @!p0 $0x108  }
0x21: {  	s3 =	sadd.s32 s3, s9;
	s6 =	sadd.s32 @!p0 $0x88, s6;
	s7 =	simm.s32 @p2 $0x1082  }
0x22: {  	[simem:s7], [sflag:s8] =	dma.local @!p0 [hbm:s6], $0xF7A  }
0x23: {  	s9 =	sor.u32 $0xD0000000, s2;
	s6 =	simm.s32 $0x108;
	_ =	swait.ge @!p0 [sflag:s8], $0x0  }
0x24: {  	s3 =	sadd.s32 $0x88, s3;
	s6 =	simm.s32 @!p1 $0x1082;
	[sflag:s4] =	ssyncset.s32 $0xFFFFF086  }
0x25: {  	[simem:s6], [sflag:s4] =	dma.local [hbm:s3], $0xF7A  }
0x26: {  	[smem:$0x3F9F] =	sst s1;
	(tag) =	ssettag s2;
	_ =	strace s9  }
0x27: {  	s1 =	sld [smem:$0x3FAF]  }
0x28: {  	s2 =	sld [smem:$0x3FB0]  }
0x29: {  	s4 =	sld [smem:$0x3FB2]  }
0x2a: {  	p0 =	seq.s32 s5, $0x0;
	s5 =	sld [smem:$0x3FB3]  }
0x2b: {  	s6 =	sld [smem:$0x3FB4]  }
0x2c: {  	s7 =	sld [smem:$0x3FB5]  }
0x2d: {  	s3 =	simm.s32 $0x108;
	s8 =	sld [smem:$0x3FB6]  }
0x2e: {  	s3 =	simm.s32 @!p0 $0x1082;
	s9 =	sld [smem:$0x3FB7]  }
0x2f: {  	lr =	sadd.s32 s0, s3;
	s0 =	sld [smem:$0x3FAE]  }
0x30: {  	s3 =	sld [smem:$0x3FB1]  }
0x31: {  	[smem:$0x3FBA] =	sst s10  }
0x32: {  	s10 =	sld [smem:$0x3FB8];
	_ =	sdelay $0x3  }
0x33: {  	p0 =	seq.s32 s10, $0x1;
	s10 =	sld [smem:$0x3FBA];
	_ =	sdelay $0x3  }
0x34: {  	[smem:$0x3FBA] =	sst s10  }
0x35: {  	s10 =	sld [smem:$0x3FB9];
	_ =	sdelay $0x3  }
0x36: {  	p1 =	seq.s32 s10, $0x1;
	s10 =	sld [smem:$0x3FBA];
	_ =	sdelay $0x3  }
0x37: {  	[smem:$0x3FBA] =	sst s10  }
0x38: {  	s10 =	sld [smem:$0x3FBB]  }
0x39: {  	_ = 	snop;
	(pc) =	sbr.ind lr, $3  }
0x3a: {  	_ = 	snop  }
0x3b: {  	_ = 	snop  }
0x3c: {  	p2 =	seq.s32 s10, $0x1;
	s10 =	sld [smem:$0x3FBA]  }
0x3d: {  	_ =	shalt  }
0x3e: {  	_ =	shalt  }
0x3f: {  	_ =	shalt  }
0x40: {  	_ =	shalt  }
0x41: {  	_ =	shalt  }
0x42: {  	_ =	shalt  }
0x43: {  	_ =	shalt  }
0x44: {  	_ =	shalt  }
0x45: {  	_ =	shalt  }
0x46: {  	_ =	shalt  }
0x47: {  	_ =	shalt  }
0x48: {  	_ =	shalt  }
0x49: {  	_ =	shalt  }
0x4a: {  	_ =	shalt  }
0x4b: {  	_ =	shalt  }
0x4c: {  	_ =	shalt  }
0x4d: {  	_ =	shalt  }
0x4e: {  	_ =	shalt  }
0x4f: {  	_ =	shalt  }
0x50: {  	_ =	shalt  }
0x51: {  	_ =	shalt  }
0x52: {  	_ =	shalt  }
0x53: {  	_ =	shalt  }
0x54: {  	_ =	shalt  }
0x55: {  	_ =	shalt  }
0x56: {  	_ =	shalt  }
0x57: {  	_ =	shalt  }
0x58: {  	_ =	shalt  }
0x59: {  	_ =	shalt  }
0x5a: {  	_ =	shalt  }
0x5b: {  	_ =	shalt  }
0x5c: {  	_ =	shalt  }
0x5d: {  	_ =	shalt  }
0x5e: {  	_ =	shalt  }
0x5f: {  	_ =	shalt  }
0x60: {  	_ =	shalt  }
0x61: {  	_ =	shalt  }
0x62: {  	_ =	shalt  }
0x63: {  	_ =	shalt  }
0x64: {  	_ =	shalt  }
0x65: {  	_ =	shalt  }
0x66: {  	_ =	shalt  }
0x67: {  	_ =	shalt  }
0x68: {  	_ =	shalt  }
0x69: {  	_ =	shalt  }
0x6a: {  	_ =	shalt  }
0x6b: {  	_ =	shalt  }
0x6c: {  	_ =	shalt  }
0x6d: {  	_ =	shalt  }
0x6e: {  	_ =	shalt  }
0x6f: {  	_ =	shalt  }
0x70: {  	_ =	shalt  }
0x71: {  	_ =	shalt  }
0x72: {  	_ =	shalt  }
0x73: {  	_ =	shalt  }
0x74: {  	_ =	shalt  }
0x75: {  	_ =	shalt  }
0x76: {  	_ =	shalt  }
0x77: {  	_ =	shalt  }
0x78: {  	_ =	shalt  }
0x79: {  	_ =	shalt  }
0x7a: {  	_ =	shalt  }
0x7b: {  	_ =	shalt  }
0x7c: {  	_ =	shalt  }
0x7d: {  	_ =	shalt  }
0x7e: {  	_ =	shalt  }
0x7f: {  	_ =	shalt  }
0x80: {  	_ =	shalt  }
0x81: {  	_ =	shalt  }
0x82: {  	_ =	shalt  }
0x83: {  	_ =	shalt  }
0x84: {  	_ =	shalt  }
0x85: {  	_ =	shalt  }
0x86: {  	_ =	shalt  }
0x87: {  	_ =	shalt  }
.Lfunc_end0:
.L_simem_size_0:
called_computation_lowered:
.L_overlay_start_0:
0x88: {  	s2 =	sld [smem:$0x3FD9]  }
0x89: {  	s3 =	sld [smem:$0x3FFE];
	_ =	sdelay $0x1  }
0x8a: {  	s1 =	srdreg.scid  }
0x8b: {  	s0 =	sand.u32 $0x1, s1  }
0x8c: {  	s18 =	sshll.u32 s0, $0xA;
	s2 =	sadd.s32 s3, s2  }
0x8d: {  	s2 =	sadd.s32 s2, s18  }
0x8e: {  	[smem:$0x3FC6] =	sst s2  }
0x8f: {  	_ = 	snop  }
0x90: {  	s2 =	sld [smem:$0x3FC9]  }
0x91: {  	s19 =	sld [smem:$0x3FC8]  }
0x92: {  	s4 =	sld [smem:$0x3FD0];
	(tm) =	ssettm $0x1  }
0x93: {  	s5 =	sld [smem:$0x3FFB];
	_ =	sdelay $0x3  }
0x94: {  	_ =	strace s5  }
0x95: {  	s5 =	sld [smem:$0x3FFC];
	_ =	sdelay $0x3  }
0x96: {  	_ =	strace s5  }
0x97: {  	s5 =	sld [smem:$0x3FFD];
	_ =	sdelay $0x3  }
0x98: {  	_ =	strace s5  }
0x99: {  	_ =	strace $0x8FFFFFFF  }
0x9a: {  	s20 =	sld [smem:$0x3FDB];
	_ =	sdelay $0x1  }
0x9b: {  	s6 =	simm.s32 $_scs_section_size  }
0x9c: {  	s7 =	simm.s32 $_size__tile_overlayer_lowered;
	s8 =	simm.s32 $_tile_overlayer_lowered  }
0x9d: {  	s23 =	simm.s32 $0x1BFF;
	s22 =	sshll.u32 s8, $0x1;
	s5 =	sadd.s32 s6, s20  }
0x9e: {  	s9 =	simm.s32 $0x0;
	s21 =	sshll.u32 s7, $0x1;
	s7 =	sadd.s32 s22, s5  }
0x9f: {  	[timem:s9], [sflag:s23] =	dma.local [hbm:s7], s21  }
0xa0: {  	_ =	swait.ge [sflag:s23], s21  }
0xa1: {  	s6 =	ssub.s32 $0x0, s21;
	[sflag:s23] =	ssyncset.done $0x0  }
0xa2: {  	[sflag:s23] =	ssyncadd.s32 s6;
	_ =	sdelay $0x1  }
0xa3: {  	s24 =	simm.s32 $0x1B8B  }
0xa4: {  	_ =	swait.ge [sflag:s24], $0x1  }
0xa5: {  	[sflag:s24] =	ssyncset.done $0x0  }
0xa6: {  	s25 =	simm.s32 $0x1B8E;
	[sflag:s24] =	ssyncadd.s32 $0xFFFFFFFF  }
0xa7: {  	s26 =	simm.s32 $execute0_lowered;
	[smem:$0x3FD2] =	sst s25  }
0xa8: {  	s6 =	sshll.u32 s26, $0x1;
	_ =	strace $0x80000046;
	[dreg:$0x1] =	wrdreg $0xFFFFFFFF  }
0xa9: {  	s28 =	simm.s32 $_size_execute0_lowered;
	s5 =	sadd.s32 s5, s6;
	[dreg:$0x0] =	wrdreg $0x0  }
0xaa: {  	s6 =	sshll.u32 s28, $0x1;
	[dreg:$0x2] =	wrdreg s5  }
0xab: {  	[dreg:$0x3] =	wrdreg s6  }
0xac: {  	[dreg:$0x4] =	wrdreg $0xC0  }
0xad: {  	_ =	task [dreg:s9], $0x5FFFF  }
0xae: {  	[dreg:$0x1] =	wrdreg $0xFFFFFFFF  }
0xaf: {  	[dreg:$0x0] =	wrdreg $0x60  }
0xb0: {  	[dreg:$0x2] =	wrdreg s2  }
0xb1: {  	[dreg:$0x3] =	wrdreg s19  }
0xb2: {  	[dreg:$0x4] =	wrdreg s4  }
0xb3: {  	[dreg:$0x5] =	wrdreg $0x9  }
0xb4: {  	_ =	task.clear_ibuf [dreg:s9], $0x6FFFF;
	_ =	strace $0x90000046  }
0xb5: {  	s29 =	simm.s32 $0x9;
	_ =	strace $0x80000048  }
0xb6: {  	_ =	swait.ge [sflag:s29], $0x1  }
0xb7: {  	[sflag:s29] =	ssyncadd.s32 $0xFFFFFFFF  }
0xb8: {  	_ =	strace $0x90000048  }
0xb9: {  	_ =	sfence  }
0xba: {  	s30 =	sld [smem:$0x0];
	_ =	sdelay $0x2  }
0xbb: {  	s31 =	sshll.u32 s1, $0xD;
	s1 =	sshrl.u32 s1, $0x2  }
0xbc: {  	s3 =	sand.u32 $0x4000, s31;
	s1 =	sadd.s32 s1, s30  }
0xbd: {  	s0 =	sor.u32 s3, s0;
	s1 =	sshll.u32 s1, $0x11  }
0xbe: {  	s0 =	sor.u32 s1, s0  }
0xbf: {  	s0 =	sadd.s32 $0x8F2B, s0  }
0xc0: {  	[sflag:s0] =	ssyncadd.remote.s32 $0x1  }
0xc1: {  	_ =	sfence.sel $0xFFFF  }
0xc2: {  	[dreg:$0x0] =	wrdreg $0xFFFFFFFF;
	(pc) =	sbr.abs _section_cstart, $3  }
0xc3: {  	[dreg:$0x1] =	wrdreg $0xFFFFFFFF  }
0xc4: {  	_ =	task.clear_ibuf [dreg:s9], $0x2FFFF;
	_ =	strace $0x9FFFFFFF  }
0xc5: {  	(tm) =	ssettm $0x7FFFFFFF  }
tec
execute0_lowered:
.L_overlay_start_1:
0x0: {  	(tag) =	ssettag $0x1  }
0x1: {  	s0 =	rddreg [dreg:$0x0]  }
0x2: {  	s1 =	rddreg [dreg:$0x1]  }
0x3: {  	s2 =	rddreg [dreg:$0x2];
	s3 =	simm.s32 $0x0  }
0x4: {  	s4 =	simm.s32 $0x6300;
	[smem:$0x7FF] =	sst s3  }
0x5: {  	s7 =	simm.s32 $0x6F00;
	_ =	strace $0x80000047;
	[dreg:$0x4] =	wrdreg s4  }
0x6: {  	s8 =	simm.s32 $0x7B00;
	[dreg:$0x5] =	wrdreg s7  }
0x7: {  	s9 =	simm.s32 $0x8700;
	[dreg:$0x6] =	wrdreg s8  }
0x8: {  	s10 =	simm.s32 $0x9300;
	[dreg:$0x7] =	wrdreg s9  }
0x9: {  	s11 =	simm.s32 $0x9F00;
	[dreg:$0x8] =	wrdreg s10  }
0xa: {  	s12 =	simm.s32 $0xAB00;
	[dreg:$0x9] =	wrdreg s11  }
0xb: {  	s13 =	simm.s32 $0xB700;
	[dreg:$0xa] =	wrdreg s12  }
0xc: {  	s14 =	simm.s32 $0xC300;
	[dreg:$0xb] =	wrdreg s13  }
0xd: {  	s15 =	simm.s32 $0xCF00;
	[dreg:$0xc] =	wrdreg s14  }
0xe: {  	s16 =	simm.s32 $0xDB00;
	[dreg:$0xd] =	wrdreg s15  }
0xf: {  	s17 =	simm.s32 $0xE700;
	[dreg:$0xe] =	wrdreg s16  }
0x10: {  	s18 =	simm.s32 $0xF300;
	[dreg:$0xf] =	wrdreg s17  }
0x11: {  	s19 =	simm.s32 $0x5B00;
	[dreg:$0x10] =	wrdreg s18  }
0x12: {  	s20 =	simm.s32 $0x6700;
	[dreg:$0x11] =	wrdreg s19  }
0x13: {  	s21 =	simm.s32 $0x7300;
	[dreg:$0x12] =	wrdreg s20  }
0x14: {  	s22 =	simm.s32 $0x7F00;
	[dreg:$0x13] =	wrdreg s21  }
0x15: {  	s23 =	simm.s32 $0x8B00;
	[dreg:$0x14] =	wrdreg s22  }
0x16: {  	s24 =	simm.s32 $0x9700;
	[dreg:$0x15] =	wrdreg s23  }
0x17: {  	s25 =	simm.s32 $0xA300;
	[dreg:$0x16] =	wrdreg s24  }
0x18: {  	s26 =	simm.s32 $0xAF00;
	[dreg:$0x17] =	wrdreg s25  }
0x19: {  	s5 =	simm.s32 $0xBB00;
	[dreg:$0x18] =	wrdreg s26  }
0x1a: {  	s6 =	simm.s32 $0xC700;
	[dreg:$0x19] =	wrdreg s5  }
0x1b: {  	[dreg:$0x1a] =	wrdreg s6;
	s7 =	simm.s32 $0xD300  }
0x1c: {  	s8 =	simm.s32 $0xDF00;
	[dreg:$0x1b] =	wrdreg s7  }
0x1d: {  	s9 =	simm.s32 $0xEB00;
	[dreg:$0x1c] =	wrdreg s8  }
0x1e: {  	s10 =	simm.s32 $0xF700;
	[dreg:$0x1d] =	wrdreg s9  }
0x1f: {  	s11 =	simm.s32 $0x5F00;
	[dreg:$0x1e] =	wrdreg s10  }
0x20: {  	s12 =	simm.s32 $0x6B00;
	[dreg:$0x1f] =	wrdreg s11  }
0x21: {  	s13 =	simm.s32 $0x7700;
	[smem:$0x7CF] =	sst s12  }
0x22: {  	s14 =	simm.s32 $0x8300;
	[smem:$0x7D0] =	sst s13  }
0x23: {  	s15 =	simm.s32 $0x8F00;
	[smem:$0x7D1] =	sst s14  }
0x24: {  	s16 =	simm.s32 $0x9B00;
	[smem:$0x7D2] =	sst s15  }
0x25: {  	s17 =	simm.s32 $0xA700;
	[smem:$0x7D3] =	sst s16  }
0x26: {  	s18 =	simm.s32 $0xB300;
	[smem:$0x7D4] =	sst s17  }
0x27: {  	s19 =	simm.s32 $0xBF00;
	[smem:$0x7D5] =	sst s18  }
0x28: {  	s20 =	simm.s32 $0xCB00;
	[smem:$0x7D6] =	sst s19  }
0x29: {  	s21 =	simm.s32 $0xD700;
	[smem:$0x7D7] =	sst s20  }
0x2a: {  	s22 =	simm.s32 $0xE300;
	[smem:$0x7D8] =	sst s21  }
0x2b: {  	s23 =	simm.s32 $0xEF00;
	[smem:$0x7D9] =	sst s22  }
0x2c: {  	s24 =	simm.s32 $0xFB00;
	[smem:$0x7DA] =	sst s23  }
0x2d: {  	s25 =	simm.s32 $0x10B00;
	[smem:$0x7DB] =	sst s24  }
0x2e: {  	s26 =	simm.s32 $0x11700;
	[smem:$0x7DC] =	sst s25  }
0x2f: {  	s5 =	simm.s32 $0x12300;
	[smem:$0x7DD] =	sst s26  }
0x30: {  	s6 =	simm.s32 $0x12F00;
	[smem:$0x7DE] =	sst s5  }
0x31: {  	[smem:$0x7DF] =	sst s6;
	s7 =	simm.s32 $0x13B00  }
0x32: {  	s8 =	simm.s32 $0x14700;
	[smem:$0x7E0] =	sst s7  }
0x33: {  	s9 =	simm.s32 $0x15300;
	[smem:$0x7E1] =	sst s8  }
0x34: {  	s11 =	simm.s32 $0x15F00;
	[smem:$0x7E2] =	sst s9  }
0x35: {  	s13 =	simm.s32 $0x16B00;
	[smem:$0x7E3] =	sst s11  }
0x36: {  	s14 =	simm.s32 $0x17700;
	[smem:$0x7E4] =	sst s13  }
0x37: {  	s15 =	simm.s32 $0x18300;
	[smem:$0x7E5] =	sst s14  }
0x38: {  	s16 =	simm.s32 $0x18F00;
	[smem:$0x7E6] =	sst s15  }
0x39: {  	s17 =	simm.s32 $0x19B00;
	[smem:$0x7E7] =	sst s16  }
0x3a: {  	s28 =	simm.s32 $0x2;
	s19 =	simm.s32 $0x10300;
	[smem:$0x7E8] =	sst s17  }
0x3b: {  	s29 =	simm.s32 $0x3;
	s20 =	simm.s32 $0x10F00;
	[smem:$0x7E9] =	sst s19  }
0x3c: {  	s30 =	simm.s32 $0x4;
	s22 =	simm.s32 $0x11B00;
	[smem:$0x7EB] =	sst s20  }
0x3d: {  	s31 =	simm.s32 $0x0;
	s23 =	simm.s32 $0x12700;
	[smem:$0x7EC] =	sst s22  }
0x3e: {  	s5 =	srdreg.scid;
	s25 =	simm.s32 $0x13300;
	[smem:$0x7EE] =	sst s23  }
0x3f: {  	s12 =	stileid.u32;
	[smem:$0x7EF] =	sst s25;
	s13 =	simm.s32 $0x15700  }
0x40: {  	s10 =	sand.u32 $0x1, s5;
	s15 =	simm.s32 $0x16300;
	[smem:$0x7F2] =	sst s13  }
0x41: {  	s7 =	sshll.u32 s12, $0x1;
	s17 =	simm.s32 $0x16F00;
	[smem:$0x7F3] =	sst s15  }
0x42: {  	s14 =	smul.u32 $0x24C000, s12;
	s19 =	simm.s32 $0x18700;
	[smem:$0x7F4] =	sst s17  }
0x43: {  	s20 =	simm.s32 $0x19300;
	s12 =	simm.s32 $0x5;
	[smem:$0x7F6] =	sst s19  }
0x44: {  	s22 =	simm.s32 $0x10700;
	s23 =	simm.s32 $0x11300;
	[smem:$0x7F7] =	sst s20  }
0x45: {  	s25 =	simm.s32 $0x12B00;
	s5 =	ssub.s32 $0x2, s10;
	[smem:$0x7F9] =	sst s22  }
0x46: {  	s7 =	sor.u32 s10, s7;
	s16 =	smul.u32 $0x126000, s10;
	[smem:$0x7FA] =	sst s23  }
0x47: {  	s15 =	simm.s32 $0x5700;
	[smem:$0x7FC] =	sst s25;
	s17 =	simm.s32 $0xFF00  }
0x48: {  	s19 =	simm.s32 $0x14F00;
	s20 =	simm.s32 $0x15B00;
	s8 =	smul.u32 $0x5400, s7  }
0x49: {  	s22 =	simm.s32 $0x17300;
	s6 =	sshrl.u32 s5, $0x1;
	s7 =	smul.u32 $0x126000, s7  }
0x4a: {  	s23 =	simm.s32 $0x17F00;
	s25 =	simm.s32 $0x19700;
	s11 =	ssub.s32 s5, s6  }
0x4b: {  	s6 =	simm.s32 $0x13F00;
	s18 =	sshrl.u32 s8, $0x3;
	s26 =	sshrl.u32 s7, $0x3  }
0x4c: {  	[smem:$0x7F0] =	sst s6;
	s8 =	simm.s32 $0x14B00;
	s10 =	smax.u32 s11, $0x1  }
0x4d: {  	s5 =	sadd.s32 s0, s18;
	s4 =	sadd.s32 s2, s26;
	[smem:$0x7F1] =	sst s8  }
0x4e: {  	s18 =	simm.s32 $0x17B00;
	s26 =	simm.s32 $0x13700;
	s21 =	sadd.s32 $0x380, s5  }
0x4f: {  	s24 =	sadd.s32 $0x700, s5;
	s9 =	sadd.s32 $0x23700, s4;
	[smem:$0x7F5] =	sst s18  }
0x50: {  	s4 =	sadd.s32 s16, s14;
	s16 =	simm.s32 $0x1;
	[smem:$0x7FD] =	sst s26  }
0x51: {  	s18 =	simm.s32 $0x14300;
	s26 =	simm.s32 $0x1A300;
	[smem:$0x7EA] =	sst s21  }
0x52: {  	v2 =	vlaneseq.u32;
	[smem:$0x7ED] =	sst s24;
	s4 =	sshrl.u32 s4, $0x3;
	s21 =	simm.s32 $0x19F00  }
0x53: {  	vm0 =	vmmov $0xff;
	v1 =	vshrl.u32 v2, $0x3;
	s24 =	simm.s32 $0x11F00;
	s4 =	sadd.s32 s4, s2;
	[smem:$0x7F8] =	sst s21  }
0x54: {  	v0 =	vand.u32 $0x7, v2;
	v2 =	vor.u32 $0x8, v2;
	v1 =	vmul.u32 $0x8, v1;
	[smem:$0x7FB] =	sst s24;
	s21 =	simm.s32 $0x16700;
	s24 =	simm.s32 $0x18B00  }
.LBB2_1:
0x55: {  	[tilespmem:s3], [sflag:$0x5] =	stream.linear.gather [hbm4b:s5+s3], $0x1C00, $0x38;
	[tilespmem:$0x1A700] =	vst v63  }
0x56: {  	_ =	swait.ge [sflag:s12], $0x1C00  }
0x57: {  	s0 =	sld [smem:$0x7EA]  }
0x58: {  	[sflag:s12] =	ssyncset.done $0x0  }
0x59: {  	s6 =	simm.s32 $0x1C00;
	[sflag:s12] =	ssyncadd.s32 $0xFFFFE400  }
0x5a: {  	[tilespmem:s6], [sflag:$0x5] =	stream.linear.gather [hbm4b:s0+s3], $0x1C00, $0x38;
	[tilespmem:$0x1A700] =	vst v63  }
0x5b: {  	_ =	swait.ge [sflag:s12], $0x1C00  }
0x5c: {  	s13 =	sld [smem:$0x7ED]  }
0x5d: {  	[sflag:s12] =	ssyncset.done $0x0  }
0x5e: {  	s14 =	simm.s32 $0x3800;
	[sflag:s12] =	ssyncadd.s32 $0xFFFFE400  }
0x5f: {  	[tilespmem:s14], [sflag:$0x5] =	stream.linear.gather [hbm4b:s13+s3], $0x1C00, $0x38;
	[tilespmem:$0x1A700] =	vst v63  }
0x60: {  	_ =	swait.ge [sflag:s12], $0x1C00  }
0x61: {  	s11 =	smov.u32 s4;
	[sflag:s12] =	ssyncset.done $0x0  }
0x62: {  	s0 =	simm.s32 $0xFFFFFF90;
	s13 =	simm.s32 $0x0;
	[sflag:s12] =	ssyncadd.s32 $0xFFFFE400  }
.LBB2_2:
0x63: {  	p0 =	seq.s32 s13, $0x0  }
0x64: {  	s14 =	simm.s32 @!p0 $0x2  }
0x65: {  	_ =	swait.ge @!p0 [sflag:s14], $0x3800  }
0x66: {  	[sflag:s14] =	ssyncset.done @!p0 $0x0  }
0x67: {  	[sflag:s14] =	ssyncadd.s32 @!p0 $0xFFFFC800  }
0x68: {  	s6 =	sshrl.u32 @!p0 s0, $0x3;
	_ =	swait.ge @!p0 [sflag:s14], $0x3800  }
0x69: {  	s6 =	smul.u32 @!p0 $0xC00, s6;
	[sflag:s14] =	ssyncset.done @!p0 $0x0  }
0x6a: {  	[sflag:s14] =	ssyncadd.s32 @!p0 $0xFFFFC800  }
0x6b: {  	s6 =	sadd.s32 @!p0 s7, s6;
	_ =	swait.ge @!p0 [sflag:s14], $0x3800  }
0x6c: {  	s8 =	simm.s32 @!p0 $0xFF00;
	s6 =	sshrl.u32 @!p0 s6, $0x3;
	[sflag:s14] =	ssyncset.done @!p0 $0x0  }
0x6d: {  	s6 =	sadd.s32 @!p0 s2, s6;
	[sflag:s14] =	ssyncadd.s32 @!p0 $0xFFFFC800;
	s14 =	simm.s32 @!p0 $0x0  }
0x6e: {  	[hbm4b:s6+s14] =	stream.linear.scatter @!p0 [tilespmem:s8], [sflag:$0x4], $0xA800, $0x38;
	[tilespmem:$0x1A700] =	vst v63  }
0x6f: {  	s6 =	simm.s32 @!p0 $0x3  }
0x70: {  	_ =	swait.ge @!p0 [sflag:s6], $0xA800  }
0x71: {  	[sflag:s6] =	ssyncset.done @!p0 $0x0  }
0x72: {  	s14 =	sshra.s32 s13, $0x2;
	[sflag:s6] =	ssyncadd.s32 @!p0 $0xFFFF5800  }
0x73: {  	v3 =	vld [tilespmem:s14+$0x0];
	_ =	sdelay $0x4  }
0x74: {  	[tilespmem:$0x5400] =	vst v3  }
0x75: {  	v3 =	vld [tilespmem:s14+$0x10];
	_ =	sdelay $0x4  }
0x76: {  	[tilespmem:$0x5410] =	vst v3  }
0x77: {  	v3 =	vld [tilespmem:s14+$0x20];
	_ =	sdelay $0x4  }
0x78: {  	[tilespmem:$0x5420] =	vst v3  }
0x79: {  	v3 =	vld [tilespmem:s14+$0x28];
	_ =	sdelay $0x4  }
0x7a: {  	[tilespmem:$0x5428] =	vst v3  }
0x7b: {  	v3 =	vld [tilespmem:s14+$0x80];
	_ =	sdelay $0x4  }
0x7c: {  	[tilespmem:$0x5438] =	vst v3  }
0x7d: {  	v3 =	vld [tilespmem:s14+$0x90];
	_ =	sdelay $0x4  }
0x7e: {  	[tilespmem:$0x5448] =	vst v3  }
0x7f: {  	v3 =	vld [tilespmem:s14+$0xA0];
	_ =	sdelay $0x4  }
0x80: {  	[tilespmem:$0x5458] =	vst v3  }
0x81: {  	v3 =	vld [tilespmem:s14+$0xA8];
	_ =	sdelay $0x4  }
0x82: {  	[tilespmem:$0x5460] =	vst v3  }
0x83: {  	v3 =	vld [tilespmem:s14+$0x1C00];
	_ =	sdelay $0x4  }
0x84: {  	v3 =	vadd.s32 $0x400, v3  }
0x85: {  	[tilespmem:$0x5480] =	vst v3  }
0x86: {  	v3 =	vld [tilespmem:s14+$0x1C10];
	_ =	sdelay $0x4  }
0x87: {  	v3 =	vadd.s32 $0x400, v3  }
0x88: {  	[tilespmem:$0x5490] =	vst v3  }
0x89: {  	v3 =	vld [tilespmem:s14+$0x1C20];
	_ =	sdelay $0x4  }
0x8a: {  	v3 =	vadd.s32 $0x400, v3  }
0x8b: {  	[tilespmem:$0x54A0] =	vst v3  }
0x8c: {  	v3 =	vld [tilespmem:s14+$0x1C28];
	_ =	sdelay $0x4  }
0x8d: {  	v3 =	vadd.s32 $0x400, v3  }
0x8e: {  	[tilespmem:$0x54A8] =	vst v3  }
0x8f: {  	v3 =	vld [tilespmem:s14+$0x1C80];
	_ =	sdelay $0x4  }
0x90: {  	v3 =	vadd.s32 $0x400, v3  }
0x91: {  	[tilespmem:$0x54B8] =	vst v3  }
0x92: {  	v3 =	vld [tilespmem:s14+$0x1C90];
	_ =	sdelay $0x4  }
0x93: {  	v3 =	vadd.s32 $0x400, v3  }
0x94: {  	[tilespmem:$0x54C8] =	vst v3  }
0x95: {  	v3 =	vld [tilespmem:s14+$0x1CA0];
	_ =	sdelay $0x4  }
0x96: {  	v3 =	vadd.s32 $0x400, v3  }
0x97: {  	[tilespmem:$0x54D8] =	vst v3  }
0x98: {  	v3 =	vld [tilespmem:s14+$0x1CA8];
	_ =	sdelay $0x4  }
0x99: {  	v3 =	vadd.s32 $0x400, v3  }
0x9a: {  	[tilespmem:$0x54E0] =	vst v3  }
0x9b: {  	v3 =	vld [tilespmem:s14+$0x3800];
	_ =	sdelay $0x4  }
0x9c: {  	v3 =	vadd.s32 $0x800, v3  }
0x9d: {  	[tilespmem:$0x5500] =	vst v3  }
0x9e: {  	v3 =	vld [tilespmem:s14+$0x3810];
	_ =	sdelay $0x4  }
0x9f: {  	v3 =	vadd.s32 $0x800, v3  }
0xa0: {  	[tilespmem:$0x5510] =	vst v3  }
0xa1: {  	v3 =	vld [tilespmem:s14+$0x3820];
	_ =	sdelay $0x4  }
0xa2: {  	v3 =	vadd.s32 $0x800, v3  }
0xa3: {  	[tilespmem:$0x5520] =	vst v3  }
0xa4: {  	v3 =	vld [tilespmem:s14+$0x3828];
	_ =	sdelay $0x4  }
0xa5: {  	v3 =	vadd.s32 $0x800, v3  }
0xa6: {  	[tilespmem:$0x5528] =	vst v3  }
0xa7: {  	v3 =	vld [tilespmem:s14+$0x3880];
	_ =	sdelay $0x4  }
0xa8: {  	v3 =	vadd.s32 $0x800, v3  }
0xa9: {  	[tilespmem:$0x5538] =	vst v3  }
0xaa: {  	v3 =	vld [tilespmem:s14+$0x3890];
	_ =	sdelay $0x4  }
0xab: {  	v3 =	vadd.s32 $0x800, v3  }
0xac: {  	[tilespmem:$0x5548] =	vst v3  }
0xad: {  	v3 =	vld [tilespmem:s14+$0x38A0];
	_ =	sdelay $0x1  }
0xae: {  	v4 =	vld [tilespmem:$0x5400];
	_ =	sdelay $0x2  }
0xaf: {  	v3 =	vadd.s32 $0x800, v3  }
0xb0: {  	[tilespmem:$0x5558] =	vst v3  }
0xb1: {  	v5 =	vperm.xlane v4, v0;
	v3 =	vld [tilespmem:s14+$0x38A8];
	_ =	sdelay $0x1  }
0xb2: {  	v4 =	vperm.xlane v4, v2;
	v5 =	vadd.s32 v1, v5;
	_ =	sdelay $0x1  }
0xb3: {  	v4 =	vadd.s32 v1, v4  }
0xb4: {  	v3 =	vadd.s32 $0x800, v3  }
0xb5: {  	[tilespmem:$0x5560] =	vst v3  }
0xb6: {  	[tilespmem:s15], [sflag:$0x1] =	stream.indirect_vreg.gather [hbm4b:s1+s3], $0x80, v5, vm0, $0xb8;
	[tilespmem:$0x1A700] =	vst v63  }
0xb7: {  	s8 =	rddreg [dreg:$0x4]  }
0xb8: {  	[tilespmem:s8], [sflag:$0x1] =	stream.indirect_vreg.gather [hbm4b:s1+s3], $0x80, v4, vm0, $0xb8;
	[tilespmem:$0x1A700] =	vst v63  }
0xb9: {  	v3 =	vld [tilespmem:$0x5410];
	_ =	sdelay $0x4  }
0xba: {  	v22 =	vperm.xlane v3, v0;
	_ =	sdelay $0x1  }
0xbb: {  	v3 =	vperm.xlane v3, v2;
	v4 =	vadd.s32 v1, v22;
	_ =	sdelay $0x1  }
0xbc: {  	v3 =	vadd.s32 v1, v3;
	_ =	sdelay $0x1  }
0xbd: {  	s6 =	rddreg [dreg:$0x5]  }
0xbe: {  	[tilespmem:s6], [sflag:$0x1] =	stream.indirect_vreg.gather [hbm4b:s1+s3], $0x80, v4, vm0, $0xb8;
	[tilespmem:$0x1A700] =	vst v63  }
0xbf: {  	s8 =	rddreg [dreg:$0x6]  }
0xc0: {  	[tilespmem:s8], [sflag:$0x1] =	stream.indirect_vreg.gather [hbm4b:s1+s3], $0x80, v3, vm0, $0xb8;
	[tilespmem:$0x1A700] =	vst v63  }
0xc1: {  	v3 =	vld [tilespmem:$0x5420];
	_ =	sdelay $0x4  }
0xc2: {  	v23 =	vperm.xlane v3, v0;
	_ =	sdelay $0x1  }
0xc3: {  	v3 =	vperm.xlane v3, v2;
	v4 =	vadd.s32 v1, v23;
	_ =	sdelay $0x1  }
0xc4: {  	v3 =	vadd.s32 v1, v3;
	_ =	sdelay $0x1  }
0xc5: {  	s6 =	rddreg [dreg:$0x7]  }
0xc6: {  	[tilespmem:s6], [sflag:$0x1] =	stream.indirect_vreg.gather [hbm4b:s1+s3], $0x80, v4, vm0, $0xb8;
	[tilespmem:$0x1A700] =	vst v63  }
0xc7: {  	s8 =	rddreg [dreg:$0x8]  }
0xc8: {  	[tilespmem:s8], [sflag:$0x1] =	stream.indirect_vreg.gather [hbm4b:s1+s3], $0x80, v3, vm0, $0xb8;
	[tilespmem:$0x1A700] =	vst v63  }
0xc9: {  	v3 =	vld [tilespmem:$0x5430];
	_ =	sdelay $0x4  }
0xca: {  	v24 =	vperm.xlane v3, v0;
	_ =	sdelay $0x1  }
0xcb: {  	v3 =	vperm.xlane v3, v2;
	v4 =	vadd.s32 v1, v24;
	_ =	sdelay $0x1  }
0xcc: {  	v3 =	vadd.s32 v1, v3;
	_ =	sdelay $0x1  }
0xcd: {  	s6 =	rddreg [dreg:$0x9]  }
0xce: {  	[tilespmem:s6], [sflag:$0x1] =	stream.indirect_vreg.gather [hbm4b:s1+s3], $0x80, v4, vm0, $0xb8;
	[tilespmem:$0x1A700] =	vst v63  }
0xcf: {  	s8 =	rddreg [dreg:$0xa]  }
0xd0: {  	[tilespmem:s8], [sflag:$0x1] =	stream.indirect_vreg.gather [hbm4b:s1+s3], $0x80, v3, vm0, $0xb8;
	[tilespmem:$0x1A700] =	vst v63  }
0xd1: {  	v3 =	vld [tilespmem:$0x5440];
	_ =	sdelay $0x4  }
0xd2: {  	v25 =	vperm.xlane v3, v0;
	_ =	sdelay $0x1  }
0xd3: {  	v3 =	vperm.xlane v3, v2;
	v4 =	vadd.s32 v1, v25;
	_ =	sdelay $0x1  }
0xd4: {  	v3 =	vadd.s32 v1, v3;
	_ =	sdelay $0x1  }
0xd5: {  	s6 =	rddreg [dreg:$0xb]  }
0xd6: {  	[tilespmem:s6], [sflag:$0x1] =	stream.indirect_vreg.gather [hbm4b:s1+s3], $0x80, v4, vm0, $0xb8;
	[tilespmem:$0x1A700] =	vst v63  }
0xd7: {  	s8 =	rddreg [dreg:$0xc]  }
0xd8: {  	[tilespmem:s8], [sflag:$0x1] =	stream.indirect_vreg.gather [hbm4b:s1+s3], $0x80, v3, vm0, $0xb8;
	[tilespmem:$0x1A700] =	vst v63  }
0xd9: {  	v3 =	vld [tilespmem:$0x5450];
	_ =	sdelay $0x4  }
0xda: {  	v26 =	vperm.xlane v3, v0;
	_ =	sdelay $0x1  }
0xdb: {  	v3 =	vperm.xlane v3, v2;
	v4 =	vadd.s32 v1, v26;
	_ =	sdelay $0x1  }
0xdc: {  	v3 =	vadd.s32 v1, v3;
	_ =	sdelay $0x1  }
0xdd: {  	s6 =	rddreg [dreg:$0xd]  }
0xde: {  	[tilespmem:s6], [sflag:$0x1] =	stream.indirect_vreg.gather [hbm4b:s1+s3], $0x80, v4, vm0, $0xb8;
	[tilespmem:$0x1A700] =	vst v63  }
0xdf: {  	s8 =	rddreg [dreg:$0xe]  }
0xe0: {  	[tilespmem:s8], [sflag:$0x1] =	stream.indirect_vreg.gather [hbm4b:s1+s3], $0x80, v3, vm0, $0xb8;
	[tilespmem:$0x1A700] =	vst v63  }
0xe1: {  	v3 =	vld [tilespmem:$0x5460];
	_ =	sdelay $0x4  }
0xe2: {  	v27 =	vperm.xlane v3, v0;
	_ =	sdelay $0x1  }
0xe3: {  	v3 =	vperm.xlane v3, v2;
	v4 =	vadd.s32 v1, v27;
	_ =	sdelay $0x1  }
0xe4: {  	v3 =	vadd.s32 v1, v3;
	_ =	sdelay $0x1  }
0xe5: {  	s6 =	rddreg [dreg:$0xf]  }
0xe6: {  	[tilespmem:s6], [sflag:$0x1] =	stream.indirect_vreg.gather [hbm4b:s1+s3], $0x80, v4, vm0, $0xb8;
	[tilespmem:$0x1A700] =	vst v63  }
0xe7: {  	s8 =	rddreg [dreg:$0x10]  }
0xe8: {  	[tilespmem:s8], [sflag:$0x1] =	stream.indirect_vreg.gather [hbm4b:s1+s3], $0x80, v3, vm0, $0xb8;
	[tilespmem:$0x1A700] =	vst v63  }
0xe9: {  	v3 =	vld [tilespmem:$0x5480];
	_ =	sdelay $0x4  }
0xea: {  	v28 =	vperm.xlane v3, v0;
	_ =	sdelay $0x1  }
0xeb: {  	v3 =	vperm.xlane v3, v2;
	v4 =	vadd.s32 v1, v28;
	_ =	sdelay $0x1  }
0xec: {  	v3 =	vadd.s32 v1, v3;
	_ =	sdelay $0x1  }
0xed: {  	s6 =	rddreg [dreg:$0x11]  }
0xee: {  	[tilespmem:s6], [sflag:$0x1] =	stream.indirect_vreg.gather [hbm4b:s1+s3], $0x80, v4, vm0, $0xb8;
	[tilespmem:$0x1A700] =	vst v63  }
0xef: {  	s8 =	rddreg [dreg:$0x12]  }
0xf0: {  	[tilespmem:s8], [sflag:$0x1] =	stream.indirect_vreg.gather [hbm4b:s1+s3], $0x80, v3, vm0, $0xb8;
	[tilespmem:$0x1A700] =	vst v63  }
0xf1: {  	v3 =	vld [tilespmem:$0x5490];
	_ =	sdelay $0x4  }
0xf2: {  	v29 =	vperm.xlane v3, v0;
	_ =	sdelay $0x1  }
0xf3: {  	v3 =	vperm.xlane v3, v2;
	v4 =	vadd.s32 v1, v29;
	_ =	sdelay $0x1  }
0xf4: {  	v3 =	vadd.s32 v1, v3;
	_ =	sdelay $0x1  }
0xf5: {  	s6 =	rddreg [dreg:$0x13]  }
0xf6: {  	[tilespmem:s6], [sflag:$0x1] =	stream.indirect_vreg.gather [hbm4b:s1+s3], $0x80, v4, vm0, $0xb8;
	[tilespmem:$0x1A700] =	vst v63  }
0xf7: {  	s8 =	rddreg [dreg:$0x14]  }
0xf8: {  	[tilespmem:s8], [sflag:$0x1] =	stream.indirect_vreg.gather [hbm4b:s1+s3], $0x80, v3, vm0, $0xb8;
	[tilespmem:$0x1A700] =	vst v63  }
0xf9: {  	v3 =	vld [tilespmem:$0x54A0];
	_ =	sdelay $0x4  }
0xfa: {  	v30 =	vperm.xlane v3, v0;
	_ =	sdelay $0x1  }
0xfb: {  	v3 =	vperm.xlane v3, v2;
	v4 =	vadd.s32 v1, v30;
	_ =	sdelay $0x1  }
0xfc: {  	v3 =	vadd.s32 v1, v3;
	_ =	sdelay $0x1  }
0xfd: {  	s6 =	rddreg [dreg:$0x15]  }
0xfe: {  	[tilespmem:s6], [sflag:$0x1] =	stream.indirect_vreg.gather [hbm4b:s1+s3], $0x80, v4, vm0, $0xb8;
	[tilespmem:$0x1A700] =	vst v63  }
0xff: {  	s8 =	rddreg [dreg:$0x16]  }
0x100: {  	[tilespmem:s8], [sflag:$0x1] =	stream.indirect_vreg.gather [hbm4b:s1+s3], $0x80, v3, vm0, $0xb8;
	[tilespmem:$0x1A700] =	vst v63  }
0x101: {  	v3 =	vld [tilespmem:$0x54B0];
	_ =	sdelay $0x4  }
0x102: {  	v31 =	vperm.xlane v3, v0;
	_ =	sdelay $0x1  }
0x103: {  	v3 =	vperm.xlane v3, v2;
	v4 =	vadd.s32 v1, v31;
	_ =	sdelay $0x1  }
0x104: {  	v3 =	vadd.s32 v1, v3;
	_ =	sdelay $0x1  }
0x105: {  	s6 =	rddreg [dreg:$0x17]  }
0x106: {  	[tilespmem:s6], [sflag:$0x1] =	stream.indirect_vreg.gather [hbm4b:s1+s3], $0x80, v4, vm0, $0xb8;
	[tilespmem:$0x1A700] =	vst v63  }
0x107: {  	s8 =	rddreg [dreg:$0x18]  }
0x108: {  	[tilespmem:s8], [sflag:$0x1] =	stream.indirect_vreg.gather [hbm4b:s1+s3], $0x80, v3, vm0, $0xb8;
	[tilespmem:$0x1A700] =	vst v63  }
0x109: {  	v3 =	vld [tilespmem:$0x54C0];
	_ =	sdelay $0x4  }
0x10a: {  	v32 =	vperm.xlane v3, v0;
	_ =	sdelay $0x1  }
0x10b: {  	v3 =	vperm.xlane v3, v2;
	v4 =	vadd.s32 v1, v32;
	_ =	sdelay $0x1  }
0x10c: {  	v3 =	vadd.s32 v1, v3;
	_ =	sdelay $0x1  }
0x10d: {  	s6 =	rddreg [dreg:$0x19]  }
0x10e: {  	[tilespmem:s6], [sflag:$0x1] =	stream.indirect_vreg.gather [hbm4b:s1+s3], $0x80, v4, vm0, $0xb8;
	[tilespmem:$0x1A700] =	vst v63  }
0x10f: {  	s8 =	rddreg [dreg:$0x1a]  }
0x110: {  	[tilespmem:s8], [sflag:$0x1] =	stream.indirect_vreg.gather [hbm4b:s1+s3], $0x80, v3, vm0, $0xb8;
	[tilespmem:$0x1A700] =	vst v63  }
0x111: {  	v3 =	vld [tilespmem:$0x54D0];
	_ =	sdelay $0x4  }
0x112: {  	v33 =	vperm.xlane v3, v0;
	_ =	sdelay $0x1  }
0x113: {  	v3 =	vperm.xlane v3, v2;
	v4 =	vadd.s32 v1, v33;
	_ =	sdelay $0x1  }
0x114: {  	v3 =	vadd.s32 v1, v3;
	_ =	sdelay $0x1  }
0x115: {  	s6 =	rddreg [dreg:$0x1b]  }
0x116: {  	[tilespmem:s6], [sflag:$0x1] =	stream.indirect_vreg.gather [hbm4b:s1+s3], $0x80, v4, vm0, $0xb8;
	[tilespmem:$0x1A700] =	vst v63  }
0x117: {  	s8 =	rddreg [dreg:$0x1c]  }
0x118: {  	[tilespmem:s8], [sflag:$0x1] =	stream.indirect_vreg.gather [hbm4b:s1+s3], $0x80, v3, vm0, $0xb8;
	[tilespmem:$0x1A700] =	vst v63  }
0x119: {  	v3 =	vld [tilespmem:$0x54E0];
	_ =	sdelay $0x4  }
0x11a: {  	v34 =	vperm.xlane v3, v0;
	_ =	sdelay $0x1  }
0x11b: {  	v3 =	vperm.xlane v3, v2;
	v4 =	vadd.s32 v1, v34;
	_ =	sdelay $0x1  }
0x11c: {  	v3 =	vadd.s32 v1, v3;
	_ =	sdelay $0x1  }
0x11d: {  	s6 =	rddreg [dreg:$0x1d]  }
0x11e: {  	[tilespmem:s6], [sflag:$0x1] =	stream.indirect_vreg.gather [hbm4b:s1+s3], $0x80, v4, vm0, $0xb8;
	[tilespmem:$0x1A700] =	vst v63  }
0x11f: {  	s8 =	rddreg [dreg:$0x1e]  }
0x120: {  	[tilespmem:s8], [sflag:$0x1] =	stream.indirect_vreg.gather [hbm4b:s1+s3], $0x80, v3, vm0, $0xb8;
	[tilespmem:$0x1A700] =	vst v63  }
0x121: {  	v3 =	vld [tilespmem:$0x5500];
	_ =	sdelay $0x4  }
0x122: {  	v35 =	vperm.xlane v3, v0;
	_ =	sdelay $0x1  }
0x123: {  	v3 =	vperm.xlane v3, v2;
	v4 =	vadd.s32 v1, v35;
	_ =	sdelay $0x1  }
0x124: {  	v3 =	vadd.s32 v1, v3  }
0x125: {  	s6 =	rddreg [dreg:$0x1f]  }
0x126: {  	s8 =	sld [smem:$0x7CF]  }
0x127: {  	[tilespmem:s6], [sflag:$0x1] =	stream.indirect_vreg.gather [hbm4b:s1+s3], $0x80, v4, vm0, $0xb8;
	[tilespmem:$0x1A700] =	vst v63  }
0x128: {  	_ = 	snop  }
0x129: {  	[tilespmem:s8], [sflag:$0x1] =	stream.indirect_vreg.gather [hbm4b:s1+s3], $0x80, v3, vm0, $0xb8;
	[tilespmem:$0x1A700] =	vst v63  }
0x12a: {  	v3 =	vld [tilespmem:$0x5510];
	_ =	sdelay $0x4  }
0x12b: {  	v36 =	vperm.xlane v3, v0;
	_ =	sdelay $0x1  }
0x12c: {  	v3 =	vperm.xlane v3, v2;
	v4 =	vadd.s32 v1, v36;
	_ =	sdelay $0x1  }
0x12d: {  	s6 =	sld [smem:$0x7D0];
	v3 =	vadd.s32 v1, v3;
	_ =	sdelay $0x1  }
0x12e: {  	s8 =	sld [smem:$0x7D1]  }
0x12f: {  	[tilespmem:s6], [sflag:$0x1] =	stream.indirect_vreg.gather [hbm4b:s1+s3], $0x80, v4, vm0, $0xb8;
	[tilespmem:$0x1A700] =	vst v63  }
0x130: {  	_ = 	snop  }
0x131: {  	[tilespmem:s8], [sflag:$0x1] =	stream.indirect_vreg.gather [hbm4b:s1+s3], $0x80, v3, vm0, $0xb8;
	[tilespmem:$0x1A700] =	vst v63  }
0x132: {  	v3 =	vld [tilespmem:$0x5520];
	_ =	sdelay $0x4  }
0x133: {  	v37 =	vperm.xlane v3, v0;
	_ =	sdelay $0x1  }
0x134: {  	v3 =	vperm.xlane v3, v2;
	v4 =	vadd.s32 v1, v37;
	_ =	sdelay $0x1  }
0x135: {  	s6 =	sld [smem:$0x7D2];
	v3 =	vadd.s32 v1, v3;
	_ =	sdelay $0x1  }
0x136: {  	s8 =	sld [smem:$0x7D3]  }
0x137: {  	[tilespmem:s6], [sflag:$0x1] =	stream.indirect_vreg.gather [hbm4b:s1+s3], $0x80, v4, vm0, $0xb8;
	[tilespmem:$0x1A700] =	vst v63  }
0x138: {  	_ = 	snop  }
0x139: {  	[tilespmem:s8], [sflag:$0x1] =	stream.indirect_vreg.gather [hbm4b:s1+s3], $0x80, v3, vm0, $0xb8;
	[tilespmem:$0x1A700] =	vst v63  }
0x13a: {  	v3 =	vld [tilespmem:$0x5530];
	_ =	sdelay $0x4  }
0x13b: {  	v38 =	vperm.xlane v3, v0;
	_ =	sdelay $0x1  }
0x13c: {  	v3 =	vperm.xlane v3, v2;
	v4 =	vadd.s32 v1, v38;
	_ =	sdelay $0x1  }
0x13d: {  	s6 =	sld [smem:$0x7D4];
	v3 =	vadd.s32 v1, v3;
	_ =	sdelay $0x1  }
0x13e: {  	s8 =	sld [smem:$0x7D5]  }
0x13f: {  	[tilespmem:s6], [sflag:$0x1] =	stream.indirect_vreg.gather [hbm4b:s1+s3], $0x80, v4, vm0, $0xb8;
	[tilespmem:$0x1A700] =	vst v63  }
0x140: {  	_ = 	snop  }
0x141: {  	[tilespmem:s8], [sflag:$0x1] =	stream.indirect_vreg.gather [hbm4b:s1+s3], $0x80, v3, vm0, $0xb8;
	[tilespmem:$0x1A700] =	vst v63  }
0x142: {  	v3 =	vld [tilespmem:$0x5540];
	_ =	sdelay $0x4  }
0x143: {  	v39 =	vperm.xlane v3, v0;
	_ =	sdelay $0x1  }
0x144: {  	v3 =	vperm.xlane v3, v2;
	v4 =	vadd.s32 v1, v39;
	_ =	sdelay $0x1  }
0x145: {  	s6 =	sld [smem:$0x7D6];
	v3 =	vadd.s32 v1, v3;
	_ =	sdelay $0x1  }
0x146: {  	s8 =	sld [smem:$0x7D7]  }
0x147: {  	[tilespmem:s6], [sflag:$0x1] =	stream.indirect_vreg.gather [hbm4b:s1+s3], $0x80, v4, vm0, $0xb8;
	[tilespmem:$0x1A700] =	vst v63  }
0x148: {  	_ = 	snop  }
0x149: {  	[tilespmem:s8], [sflag:$0x1] =	stream.indirect_vreg.gather [hbm4b:s1+s3], $0x80, v3, vm0, $0xb8;
	[tilespmem:$0x1A700] =	vst v63  }
0x14a: {  	v3 =	vld [tilespmem:$0x5550];
	_ =	sdelay $0x4  }
0x14b: {  	v40 =	vperm.xlane v3, v0;
	_ =	sdelay $0x1  }
0x14c: {  	v3 =	vperm.xlane v3, v2;
	v4 =	vadd.s32 v1, v40;
	_ =	sdelay $0x1  }
0x14d: {  	s6 =	sld [smem:$0x7D8];
	v3 =	vadd.s32 v1, v3;
	_ =	sdelay $0x1  }
0x14e: {  	s8 =	sld [smem:$0x7D9]  }
0x14f: {  	[tilespmem:s6], [sflag:$0x1] =	stream.indirect_vreg.gather [hbm4b:s1+s3], $0x80, v4, vm0, $0xb8;
	[tilespmem:$0x1A700] =	vst v63  }
0x150: {  	_ = 	snop  }
0x151: {  	[tilespmem:s8], [sflag:$0x1] =	stream.indirect_vreg.gather [hbm4b:s1+s3], $0x80, v3, vm0, $0xb8;
	[tilespmem:$0x1A700] =	vst v63  }
0x152: {  	v3 =	vld [tilespmem:$0x5560];
	_ =	sdelay $0x4  }
0x153: {  	v41 =	vperm.xlane v3, v0;
	_ =	sdelay $0x1  }
0x154: {  	v3 =	vperm.xlane v3, v2;
	v4 =	vadd.s32 v1, v41;
	_ =	sdelay $0x1  }
0x155: {  	s6 =	sld [smem:$0x7DA];
	v3 =	vadd.s32 v1, v3;
	_ =	sdelay $0x1  }
0x156: {  	s8 =	sld [smem:$0x7DB]  }
0x157: {  	[tilespmem:s6], [sflag:$0x1] =	stream.indirect_vreg.gather [hbm4b:s1+s3], $0x80, v4, vm0, $0xb8;
	[tilespmem:$0x1A700] =	vst v63  }
0x158: {  	_ = 	snop  }
0x159: {  	[tilespmem:s8], [sflag:$0x1] =	stream.indirect_vreg.gather [hbm4b:s1+s3], $0x80, v3, vm0, $0xb8;
	[tilespmem:$0x1A700] =	vst v63  }
0x15a: {  	_ =	swait.ge [sflag:s16], $0x3800  }
0x15b: {  	[sflag:s16] =	ssyncset.done $0x0  }
0x15c: {  	[sflag:s16] =	ssyncadd.s32 $0xFFFFC800  }
0x15d: {  	_ =	swait.ge [sflag:s16], $0x3800  }
0x15e: {  	[sflag:s16] =	ssyncset.done $0x0  }
0x15f: {  	[sflag:s16] =	ssyncadd.s32 $0xFFFFC800  }
0x160: {  	_ =	swait.ge [sflag:s16], $0x3800  }
0x161: {  	[sflag:s16] =	ssyncset.done $0x0  }
0x162: {  	s6 =	simm.s32 @!p0 $0x4;
	[sflag:s16] =	ssyncadd.s32 $0xFFFFC800  }
0x163: {  	[hbm4b:s11+s3] =	stream.linear.scatter [tilespmem:s15], [sflag:$0x3], $0xA800, $0x38;
	[tilespmem:$0x1A700] =	vst v63  }
0x164: {  	_ =	swait.ge @!p0 [sflag:s6], $0xA800  }
0x165: {  	[sflag:s6] =	ssyncset.done @!p0 $0x0  }
0x166: {  	[sflag:s6] =	ssyncadd.s32 @!p0 $0xFFFF5800  }
0x167: {  	v3 =	vld [tilespmem:s14+$0x100];
	_ =	sdelay $0x4  }
0x168: {  	[tilespmem:$0x5580] =	vst v3  }
0x169: {  	v3 =	vld [tilespmem:s14+$0x110];
	_ =	sdelay $0x4  }
0x16a: {  	[tilespmem:$0x5590] =	vst v3  }
0x16b: {  	v3 =	vld [tilespmem:s14+$0x120];
	_ =	sdelay $0x4  }
0x16c: {  	[tilespmem:$0x55A0] =	vst v3  }
0x16d: {  	v3 =	vld [tilespmem:s14+$0x128];
	_ =	sdelay $0x4  }
0x16e: {  	[tilespmem:$0x55A8] =	vst v3  }
0x16f: {  	v3 =	vld [tilespmem:s14+$0x180];
	_ =	sdelay $0x4  }
0x170: {  	[tilespmem:$0x55B8] =	vst v3  }
0x171: {  	v3 =	vld [tilespmem:s14+$0x190];
	_ =	sdelay $0x4  }
0x172: {  	[tilespmem:$0x55C8] =	vst v3  }
0x173: {  	v3 =	vld [tilespmem:s14+$0x1A0];
	_ =	sdelay $0x4  }
0x174: {  	[tilespmem:$0x55D8] =	vst v3  }
0x175: {  	v3 =	vld [tilespmem:s14+$0x1A8];
	_ =	sdelay $0x4  }
0x176: {  	[tilespmem:$0x55E0] =	vst v3  }
0x177: {  	v3 =	vld [tilespmem:s14+$0x1D00];
	_ =	sdelay $0x4  }
0x178: {  	v3 =	vadd.s32 $0x400, v3  }
0x179: {  	[tilespmem:$0x5600] =	vst v3  }
0x17a: {  	v3 =	vld [tilespmem:s14+$0x1D10];
	_ =	sdelay $0x4  }
0x17b: {  	v3 =	vadd.s32 $0x400, v3  }
0x17c: {  	[tilespmem:$0x5610] =	vst v3  }
0x17d: {  	v3 =	vld [tilespmem:s14+$0x1D20];
	_ =	sdelay $0x4  }
0x17e: {  	v3 =	vadd.s32 $0x400, v3  }
0x17f: {  	[tilespmem:$0x5620] =	vst v3  }
0x180: {  	v3 =	vld [tilespmem:s14+$0x1D28];
	_ =	sdelay $0x4  }
0x181: {  	v3 =	vadd.s32 $0x400, v3  }
0x182: {  	[tilespmem:$0x5628] =	vst v3  }
0x183: {  	v3 =	vld [tilespmem:s14+$0x1D80];
	_ =	sdelay $0x4  }
0x184: {  	v3 =	vadd.s32 $0x400, v3  }
0x185: {  	[tilespmem:$0x5638] =	vst v3  }
0x186: {  	v3 =	vld [tilespmem:s14+$0x1D90];
	_ =	sdelay $0x4  }
0x187: {  	v3 =	vadd.s32 $0x400, v3  }
0x188: {  	[tilespmem:$0x5648] =	vst v3  }
0x189: {  	v3 =	vld [tilespmem:s14+$0x1DA0];
	_ =	sdelay $0x4  }
0x18a: {  	v3 =	vadd.s32 $0x400, v3  }
0x18b: {  	[tilespmem:$0x5658] =	vst v3  }
0x18c: {  	v3 =	vld [tilespmem:s14+$0x1DA8];
	_ =	sdelay $0x4  }
0x18d: {  	v3 =	vadd.s32 $0x400, v3  }
0x18e: {  	[tilespmem:$0x5660] =	vst v3  }
0x18f: {  	v3 =	vld [tilespmem:s14+$0x3900];
	_ =	sdelay $0x4  }
0x190: {  	v3 =	vadd.s32 $0x800, v3  }
0x191: {  	[tilespmem:$0x5680] =	vst v3  }
0x192: {  	v3 =	vld [tilespmem:s14+$0x3910];
	_ =	sdelay $0x4  }
0x193: {  	v3 =	vadd.s32 $0x800, v3  }
0x194: {  	[tilespmem:$0x5690] =	vst v3  }
0x195: {  	v3 =	vld [tilespmem:s14+$0x3920];
	_ =	sdelay $0x4  }
0x196: {  	v3 =	vadd.s32 $0x800, v3  }
0x197: {  	[tilespmem:$0x56A0] =	vst v3  }
0x198: {  	v3 =	vld [tilespmem:s14+$0x3928];
	_ =	sdelay $0x4  }
0x199: {  	v3 =	vadd.s32 $0x800, v3  }
0x19a: {  	[tilespmem:$0x56A8] =	vst v3  }
0x19b: {  	v3 =	vld [tilespmem:s14+$0x3980];
	_ =	sdelay $0x4  }
0x19c: {  	v3 =	vadd.s32 $0x800, v3  }
0x19d: {  	[tilespmem:$0x56B8] =	vst v3  }
0x19e: {  	v3 =	vld [tilespmem:s14+$0x3990];
	_ =	sdelay $0x4  }
0x19f: {  	v3 =	vadd.s32 $0x800, v3  }
0x1a0: {  	[tilespmem:$0x56C8] =	vst v3  }
0x1a1: {  	v3 =	vld [tilespmem:s14+$0x39A0];
	_ =	sdelay $0x1  }
0x1a2: {  	v42 =	vld [tilespmem:$0x5580];
	_ =	sdelay $0x2  }
0x1a3: {  	v3 =	vadd.s32 $0x800, v3  }
0x1a4: {  	[tilespmem:$0x56D8] =	vst v3  }
0x1a5: {  	v43 =	vperm.xlane v42, v0;
	v3 =	vld [tilespmem:s14+$0x39A8];
	_ =	sdelay $0x1  }
0x1a6: {  	v4 =	vperm.xlane v42, v2;
	v5 =	vadd.s32 v1, v43;
	_ =	sdelay $0x1  }
0x1a7: {  	v4 =	vadd.s32 v1, v4  }
0x1a8: {  	v3 =	vadd.s32 $0x800, v3  }
0x1a9: {  	s14 =	sld [smem:$0x7DC];
	[tilespmem:$0x56E0] =	vst v3  }
0x1aa: {  	[tilespmem:s17], [sflag:$0x2] =	stream.indirect_vreg.gather [hbm4b:s1+s3], $0x80, v5, vm0, $0xb8;
	[tilespmem:$0x1A700] =	vst v63  }
0x1ab: {  	_ = 	snop  }
0x1ac: {  	[tilespmem:s14], [sflag:$0x2] =	stream.indirect_vreg.gather [hbm4b:s1+s3], $0x80, v4, vm0, $0xb8;
	[tilespmem:$0x1A700] =	vst v63  }
0x1ad: {  	v3 =	vld [tilespmem:$0x5590];
	_ =	sdelay $0x4  }
0x1ae: {  	v44 =	vperm.xlane v3, v0;
	_ =	sdelay $0x1  }
0x1af: {  	v3 =	vperm.xlane v3, v2;
	v4 =	vadd.s32 v1, v44;
	_ =	sdelay $0x1  }
0x1b0: {  	s8 =	sld [smem:$0x7DD];
	v3 =	vadd.s32 v1, v3;
	_ =	sdelay $0x1  }
0x1b1: {  	s14 =	sld [smem:$0x7DE]  }
0x1b2: {  	[tilespmem:s8], [sflag:$0x2] =	stream.indirect_vreg.gather [hbm4b:s1+s3], $0x80, v4, vm0, $0xb8;
	[tilespmem:$0x1A700] =	vst v63  }
0x1b3: {  	_ = 	snop  }
0x1b4: {  	[tilespmem:s14], [sflag:$0x2] =	stream.indirect_vreg.gather [hbm4b:s1+s3], $0x80, v3, vm0, $0xb8;
	[tilespmem:$0x1A700] =	vst v63  }
0x1b5: {  	v3 =	vld [tilespmem:$0x55A0];
	_ =	sdelay $0x4  }
0x1b6: {  	v45 =	vperm.xlane v3, v0;
	_ =	sdelay $0x1  }
0x1b7: {  	v3 =	vperm.xlane v3, v2;
	v4 =	vadd.s32 v1, v45;
	_ =	sdelay $0x1  }
0x1b8: {  	s8 =	sld [smem:$0x7DF];
	v3 =	vadd.s32 v1, v3;
	_ =	sdelay $0x1  }
0x1b9: {  	s14 =	sld [smem:$0x7E0]  }
0x1ba: {  	[tilespmem:s8], [sflag:$0x2] =	stream.indirect_vreg.gather [hbm4b:s1+s3], $0x80, v4, vm0, $0xb8;
	[tilespmem:$0x1A700] =	vst v63  }
0x1bb: {  	_ = 	snop  }
0x1bc: {  	[tilespmem:s14], [sflag:$0x2] =	stream.indirect_vreg.gather [hbm4b:s1+s3], $0x80, v3, vm0, $0xb8;
	[tilespmem:$0x1A700] =	vst v63  }
0x1bd: {  	v3 =	vld [tilespmem:$0x55B0];
	_ =	sdelay $0x4  }
0x1be: {  	v46 =	vperm.xlane v3, v0;
	_ =	sdelay $0x1  }
0x1bf: {  	v3 =	vperm.xlane v3, v2;
	v4 =	vadd.s32 v1, v46;
	_ =	sdelay $0x1  }
0x1c0: {  	s8 =	sld [smem:$0x7E1];
	v3 =	vadd.s32 v1, v3;
	_ =	sdelay $0x1  }
0x1c1: {  	s14 =	sld [smem:$0x7E2]  }
0x1c2: {  	[tilespmem:s8], [sflag:$0x2] =	stream.indirect_vreg.gather [hbm4b:s1+s3], $0x80, v4, vm0, $0xb8;
	[tilespmem:$0x1A700] =	vst v63  }
0x1c3: {  	_ = 	snop  }
0x1c4: {  	[tilespmem:s14], [sflag:$0x2] =	stream.indirect_vreg.gather [hbm4b:s1+s3], $0x80, v3, vm0, $0xb8;
	[tilespmem:$0x1A700] =	vst v63  }
0x1c5: {  	v3 =	vld [tilespmem:$0x55C0];
	_ =	sdelay $0x4  }
0x1c6: {  	v47 =	vperm.xlane v3, v0;
	_ =	sdelay $0x1  }
0x1c7: {  	v3 =	vperm.xlane v3, v2;
	v4 =	vadd.s32 v1, v47;
	_ =	sdelay $0x1  }
0x1c8: {  	s8 =	sld [smem:$0x7E3];
	v3 =	vadd.s32 v1, v3;
	_ =	sdelay $0x1  }
0x1c9: {  	s14 =	sld [smem:$0x7E4]  }
0x1ca: {  	[tilespmem:s8], [sflag:$0x2] =	stream.indirect_vreg.gather [hbm4b:s1+s3], $0x80, v4, vm0, $0xb8;
	[tilespmem:$0x1A700] =	vst v63  }
0x1cb: {  	_ = 	snop  }
0x1cc: {  	[tilespmem:s14], [sflag:$0x2] =	stream.indirect_vreg.gather [hbm4b:s1+s3], $0x80, v3, vm0, $0xb8;
	[tilespmem:$0x1A700] =	vst v63  }
0x1cd: {  	v3 =	vld [tilespmem:$0x55D0];
	_ =	sdelay $0x4  }
0x1ce: {  	v48 =	vperm.xlane v3, v0;
	_ =	sdelay $0x1  }
0x1cf: {  	v3 =	vperm.xlane v3, v2;
	v4 =	vadd.s32 v1, v48;
	_ =	sdelay $0x1  }
0x1d0: {  	s8 =	sld [smem:$0x7E5];
	v3 =	vadd.s32 v1, v3;
	_ =	sdelay $0x1  }
0x1d1: {  	s14 =	sld [smem:$0x7E6]  }
0x1d2: {  	[tilespmem:s8], [sflag:$0x2] =	stream.indirect_vreg.gather [hbm4b:s1+s3], $0x80, v4, vm0, $0xb8;
	[tilespmem:$0x1A700] =	vst v63  }
0x1d3: {  	_ = 	snop  }
0x1d4: {  	[tilespmem:s14], [sflag:$0x2] =	stream.indirect_vreg.gather [hbm4b:s1+s3], $0x80, v3, vm0, $0xb8;
	[tilespmem:$0x1A700] =	vst v63  }
0x1d5: {  	v3 =	vld [tilespmem:$0x55E0];
	_ =	sdelay $0x4  }
0x1d6: {  	v49 =	vperm.xlane v3, v0;
	_ =	sdelay $0x1  }
0x1d7: {  	v3 =	vperm.xlane v3, v2;
	v4 =	vadd.s32 v1, v49;
	_ =	sdelay $0x1  }
0x1d8: {  	s8 =	sld [smem:$0x7E7];
	v3 =	vadd.s32 v1, v3;
	_ =	sdelay $0x1  }
0x1d9: {  	s14 =	sld [smem:$0x7E8]  }
0x1da: {  	[tilespmem:s8], [sflag:$0x2] =	stream.indirect_vreg.gather [hbm4b:s1+s3], $0x80, v4, vm0, $0xb8;
	[tilespmem:$0x1A700] =	vst v63  }
0x1db: {  	_ = 	snop  }
0x1dc: {  	[tilespmem:s14], [sflag:$0x2] =	stream.indirect_vreg.gather [hbm4b:s1+s3], $0x80, v3, vm0, $0xb8;
	[tilespmem:$0x1A700] =	vst v63  }
0x1dd: {  	v3 =	vld [tilespmem:$0x5600];
	_ =	sdelay $0x4  }
0x1de: {  	v50 =	vperm.xlane v3, v0;
	_ =	sdelay $0x1  }
0x1df: {  	v3 =	vperm.xlane v3, v2;
	v4 =	vadd.s32 v1, v50;
	_ =	sdelay $0x1  }
0x1e0: {  	s8 =	sld [smem:$0x7E9];
	v3 =	vadd.s32 v1, v3;
	_ =	sdelay $0x1  }
0x1e1: {  	s14 =	sld [smem:$0x7EB]  }
0x1e2: {  	[tilespmem:s8], [sflag:$0x2] =	stream.indirect_vreg.gather [hbm4b:s1+s3], $0x80, v4, vm0, $0xb8;
	[tilespmem:$0x1A700] =	vst v63  }
0x1e3: {  	_ = 	snop  }
0x1e4: {  	[tilespmem:s14], [sflag:$0x2] =	stream.indirect_vreg.gather [hbm4b:s1+s3], $0x80, v3, vm0, $0xb8;
	[tilespmem:$0x1A700] =	vst v63  }
0x1e5: {  	v3 =	vld [tilespmem:$0x5610];
	_ =	sdelay $0x4  }
0x1e6: {  	v51 =	vperm.xlane v3, v0;
	_ =	sdelay $0x1  }
0x1e7: {  	v3 =	vperm.xlane v3, v2;
	v4 =	vadd.s32 v1, v51;
	_ =	sdelay $0x1  }
0x1e8: {  	s8 =	sld [smem:$0x7EC];
	v3 =	vadd.s32 v1, v3;
	_ =	sdelay $0x1  }
0x1e9: {  	s14 =	sld [smem:$0x7EE]  }
0x1ea: {  	[tilespmem:s8], [sflag:$0x2] =	stream.indirect_vreg.gather [hbm4b:s1+s3], $0x80, v4, vm0, $0xb8;
	[tilespmem:$0x1A700] =	vst v63  }
0x1eb: {  	_ = 	snop  }
0x1ec: {  	[tilespmem:s14], [sflag:$0x2] =	stream.indirect_vreg.gather [hbm4b:s1+s3], $0x80, v3, vm0, $0xb8;
	[tilespmem:$0x1A700] =	vst v63  }
0x1ed: {  	v3 =	vld [tilespmem:$0x5620];
	_ =	sdelay $0x4  }
0x1ee: {  	v52 =	vperm.xlane v3, v0;
	_ =	sdelay $0x1  }
0x1ef: {  	v3 =	vperm.xlane v3, v2;
	v4 =	vadd.s32 v1, v52;
	_ =	sdelay $0x1  }
0x1f0: {  	s8 =	sld [smem:$0x7EF];
	v3 =	vadd.s32 v1, v3;
	_ =	sdelay $0x1  }
0x1f1: {  	s14 =	sld [smem:$0x7F0]  }
0x1f2: {  	[tilespmem:s8], [sflag:$0x2] =	stream.indirect_vreg.gather [hbm4b:s1+s3], $0x80, v4, vm0, $0xb8;
	[tilespmem:$0x1A700] =	vst v63  }
0x1f3: {  	_ = 	snop  }
0x1f4: {  	[tilespmem:s14], [sflag:$0x2] =	stream.indirect_vreg.gather [hbm4b:s1+s3], $0x80, v3, vm0, $0xb8;
	[tilespmem:$0x1A700] =	vst v63  }
0x1f5: {  	v3 =	vld [tilespmem:$0x5630];
	_ =	sdelay $0x4  }
0x1f6: {  	v53 =	vperm.xlane v3, v0;
	_ =	sdelay $0x1  }
0x1f7: {  	v3 =	vperm.xlane v3, v2;
	v4 =	vadd.s32 v1, v53;
	_ =	sdelay $0x1  }
0x1f8: {  	s8 =	sld [smem:$0x7F1];
	v3 =	vadd.s32 v1, v3;
	_ =	sdelay $0x1  }
0x1f9: {  	s14 =	sld [smem:$0x7F2]  }
0x1fa: {  	[tilespmem:s8], [sflag:$0x2] =	stream.indirect_vreg.gather [hbm4b:s1+s3], $0x80, v4, vm0, $0xb8;
	[tilespmem:$0x1A700] =	vst v63  }
0x1fb: {  	_ = 	snop  }
0x1fc: {  	[tilespmem:s14], [sflag:$0x2] =	stream.indirect_vreg.gather [hbm4b:s1+s3], $0x80, v3, vm0, $0xb8;
	[tilespmem:$0x1A700] =	vst v63  }
0x1fd: {  	v3 =	vld [tilespmem:$0x5640];
	_ =	sdelay $0x4  }
0x1fe: {  	v54 =	vperm.xlane v3, v0;
	_ =	sdelay $0x1  }
0x1ff: {  	v3 =	vperm.xlane v3, v2;
	v4 =	vadd.s32 v1, v54;
	_ =	sdelay $0x1  }
0x200: {  	s8 =	sld [smem:$0x7F3];
	v3 =	vadd.s32 v1, v3;
	_ =	sdelay $0x1  }
0x201: {  	s14 =	sld [smem:$0x7F4]  }
0x202: {  	[tilespmem:s8], [sflag:$0x2] =	stream.indirect_vreg.gather [hbm4b:s1+s3], $0x80, v4, vm0, $0xb8;
	[tilespmem:$0x1A700] =	vst v63  }
0x203: {  	_ = 	snop  }
0x204: {  	[tilespmem:s14], [sflag:$0x2] =	stream.indirect_vreg.gather [hbm4b:s1+s3], $0x80, v3, vm0, $0xb8;
	[tilespmem:$0x1A700] =	vst v63  }
0x205: {  	v3 =	vld [tilespmem:$0x5650];
	_ =	sdelay $0x4  }
0x206: {  	v55 =	vperm.xlane v3, v0;
	_ =	sdelay $0x1  }
0x207: {  	v3 =	vperm.xlane v3, v2;
	v4 =	vadd.s32 v1, v55;
	_ =	sdelay $0x1  }
0x208: {  	s8 =	sld [smem:$0x7F5];
	v3 =	vadd.s32 v1, v3;
	_ =	sdelay $0x1  }
0x209: {  	s14 =	sld [smem:$0x7F6]  }
0x20a: {  	[tilespmem:s8], [sflag:$0x2] =	stream.indirect_vreg.gather [hbm4b:s1+s3], $0x80, v4, vm0, $0xb8;
	[tilespmem:$0x1A700] =	vst v63  }
0x20b: {  	_ = 	snop  }
0x20c: {  	[tilespmem:s14], [sflag:$0x2] =	stream.indirect_vreg.gather [hbm4b:s1+s3], $0x80, v3, vm0, $0xb8;
	[tilespmem:$0x1A700] =	vst v63  }
0x20d: {  	v3 =	vld [tilespmem:$0x5660];
	_ =	sdelay $0x4  }
0x20e: {  	v56 =	vperm.xlane v3, v0;
	_ =	sdelay $0x1  }
0x20f: {  	v3 =	vperm.xlane v3, v2;
	v4 =	vadd.s32 v1, v56;
	_ =	sdelay $0x1  }
0x210: {  	s8 =	sld [smem:$0x7F7];
	v3 =	vadd.s32 v1, v3;
	_ =	sdelay $0x1  }
0x211: {  	s14 =	sld [smem:$0x7F8]  }
0x212: {  	[tilespmem:s8], [sflag:$0x2] =	stream.indirect_vreg.gather [hbm4b:s1+s3], $0x80, v4, vm0, $0xb8;
	[tilespmem:$0x1A700] =	vst v63  }
0x213: {  	_ = 	snop  }
0x214: {  	[tilespmem:s14], [sflag:$0x2] =	stream.indirect_vreg.gather [hbm4b:s1+s3], $0x80, v3, vm0, $0xb8;
	[tilespmem:$0x1A700] =	vst v63  }
0x215: {  	v3 =	vld [tilespmem:$0x5680];
	_ =	sdelay $0x4  }
0x216: {  	v57 =	vperm.xlane v3, v0;
	_ =	sdelay $0x1  }
0x217: {  	v3 =	vperm.xlane v3, v2;
	v4 =	vadd.s32 v1, v57;
	_ =	sdelay $0x1  }
0x218: {  	s8 =	sld [smem:$0x7F9];
	v3 =	vadd.s32 v1, v3;
	_ =	sdelay $0x1  }
0x219: {  	s14 =	sld [smem:$0x7FA]  }
0x21a: {  	[tilespmem:s8], [sflag:$0x2] =	stream.indirect_vreg.gather [hbm4b:s1+s3], $0x80, v4, vm0, $0xb8;
	[tilespmem:$0x1A700] =	vst v63  }
0x21b: {  	_ = 	snop  }
0x21c: {  	[tilespmem:s14], [sflag:$0x2] =	stream.indirect_vreg.gather [hbm4b:s1+s3], $0x80, v3, vm0, $0xb8;
	[tilespmem:$0x1A700] =	vst v63  }
0x21d: {  	v3 =	vld [tilespmem:$0x5690];
	_ =	sdelay $0x4  }
0x21e: {  	v58 =	vperm.xlane v3, v0;
	_ =	sdelay $0x1  }
0x21f: {  	v3 =	vperm.xlane v3, v2;
	v4 =	vadd.s32 v1, v58;
	_ =	sdelay $0x1  }
0x220: {  	s8 =	sld [smem:$0x7FB];
	v3 =	vadd.s32 v1, v3;
	_ =	sdelay $0x1  }
0x221: {  	s14 =	sld [smem:$0x7FC]  }
0x222: {  	[tilespmem:s8], [sflag:$0x2] =	stream.indirect_vreg.gather [hbm4b:s1+s3], $0x80, v4, vm0, $0xb8;
	[tilespmem:$0x1A700] =	vst v63  }
0x223: {  	_ = 	snop  }
0x224: {  	[tilespmem:s14], [sflag:$0x2] =	stream.indirect_vreg.gather [hbm4b:s1+s3], $0x80, v3, vm0, $0xb8;
	[tilespmem:$0x1A700] =	vst v63  }
0x225: {  	v3 =	vld [tilespmem:$0x56A0];
	_ =	sdelay $0x4  }
0x226: {  	v59 =	vperm.xlane v3, v0;
	_ =	sdelay $0x1  }
0x227: {  	v3 =	vperm.xlane v3, v2;
	v4 =	vadd.s32 v1, v59;
	_ =	sdelay $0x1  }
0x228: {  	s14 =	sld [smem:$0x7FD];
	v3 =	vadd.s32 v1, v3;
	_ =	sdelay $0x2  }
0x229: {  	[tilespmem:s14], [sflag:$0x2] =	stream.indirect_vreg.gather [hbm4b:s1+s3], $0x80, v4, vm0, $0xb8;
	[tilespmem:$0x1A700] =	vst v63  }
0x22a: {  	_ = 	snop  }
0x22b: {  	[tilespmem:s18], [sflag:$0x2] =	stream.indirect_vreg.gather [hbm4b:s1+s3], $0x80, v3, vm0, $0xb8;
	[tilespmem:$0x1A700] =	vst v63  }
0x22c: {  	v3 =	vld [tilespmem:$0x56B0];
	_ =	sdelay $0x4  }
0x22d: {  	v60 =	vperm.xlane v3, v0;
	_ =	sdelay $0x1  }
0x22e: {  	v3 =	vperm.xlane v3, v2;
	v4 =	vadd.s32 v1, v60;
	_ =	sdelay $0x1  }
0x22f: {  	v3 =	vadd.s32 v1, v3;
	_ =	sdelay $0x2  }
0x230: {  	[tilespmem:s19], [sflag:$0x2] =	stream.indirect_vreg.gather [hbm4b:s1+s3], $0x80, v4, vm0, $0xb8;
	[tilespmem:$0x1A700] =	vst v63  }
0x231: {  	_ = 	snop  }
0x232: {  	[tilespmem:s20], [sflag:$0x2] =	stream.indirect_vreg.gather [hbm4b:s1+s3], $0x80, v3, vm0, $0xb8;
	[tilespmem:$0x1A700] =	vst v63  }
0x233: {  	v3 =	vld [tilespmem:$0x56C0];
	_ =	sdelay $0x4  }
0x234: {  	v61 =	vperm.xlane v3, v0;
	_ =	sdelay $0x1  }
0x235: {  	v3 =	vperm.xlane v3, v2;
	v4 =	vadd.s32 v1, v61;
	_ =	sdelay $0x1  }
0x236: {  	v3 =	vadd.s32 v1, v3;
	_ =	sdelay $0x2  }
0x237: {  	[tilespmem:s21], [sflag:$0x2] =	stream.indirect_vreg.gather [hbm4b:s1+s3], $0x80, v4, vm0, $0xb8;
	[tilespmem:$0x1A700] =	vst v63  }
0x238: {  	_ = 	snop  }
0x239: {  	[tilespmem:s22], [sflag:$0x2] =	stream.indirect_vreg.gather [hbm4b:s1+s3], $0x80, v3, vm0, $0xb8;
	[tilespmem:$0x1A700] =	vst v63  }
0x23a: {  	v3 =	vld [tilespmem:$0x56D0];
	_ =	sdelay $0x4  }
0x23b: {  	v62 =	vperm.xlane v3, v0;
	_ =	sdelay $0x1  }
0x23c: {  	v3 =	vperm.xlane v3, v2;
	v4 =	vadd.s32 v1, v62;
	_ =	sdelay $0x1  }
0x23d: {  	v3 =	vadd.s32 v1, v3;
	_ =	sdelay $0x2  }
0x23e: {  	[tilespmem:s23], [sflag:$0x2] =	stream.indirect_vreg.gather [hbm4b:s1+s3], $0x80, v4, vm0, $0xb8;
	[tilespmem:$0x1A700] =	vst v63  }
0x23f: {  	_ = 	snop  }
0x240: {  	[tilespmem:s24], [sflag:$0x2] =	stream.indirect_vreg.gather [hbm4b:s1+s3], $0x80, v3, vm0, $0xb8;
	[tilespmem:$0x1A700] =	vst v63  }
0x241: {  	v3 =	vld [tilespmem:$0x56E0];
	_ =	sdelay $0x4  }
0x242: {  	v63 =	vperm.xlane v3, v0;
	_ =	sdelay $0x1  }
0x243: {  	v3 =	vperm.xlane v3, v2;
	v4 =	vadd.s32 v1, v63  }
0x244: {  	s13 =	sadd.s32 $0x800, s13  }
0x245: {  	p0 =	sne.s32 s13, $0x7000;
	v3 =	vadd.s32 v1, v3  }
.Ltmp0:
0x246: {  	_ = 	snop;
	(pc) =	sbr.rel @p0 .LBB2_2-.Ltmp0, $4  }
0x247: {  	_ = 	snop  }
0x248: {  	[tilespmem:s25], [sflag:$0x2] =	stream.indirect_vreg.gather [hbm4b:s1+s3], $0x80, v4, vm0, $0xb8;
	[tilespmem:$0x1A700] =	vst v63  }
0x249: {  	s0 =	sadd.s32 $0xE0, s0;
	s11 =	sadd.s32 $0x2A00, s11  }
0x24a: {  	[tilespmem:s26], [sflag:$0x2] =	stream.indirect_vreg.gather [hbm4b:s1+s3], $0x80, v3, vm0, $0xb8;
	[tilespmem:$0x1A700] =	vst v63  }
0x24b: {  	_ =	swait.ge [sflag:s28], $0x3800  }
0x24c: {  	[sflag:s28] =	ssyncset.done $0x0  }
0x24d: {  	[sflag:s28] =	ssyncadd.s32 $0xFFFFC800  }
0x24e: {  	_ =	swait.ge [sflag:s28], $0x3800  }
0x24f: {  	[sflag:s28] =	ssyncset.done $0x0  }
0x250: {  	[sflag:s28] =	ssyncadd.s32 $0xFFFFC800  }
0x251: {  	_ =	swait.ge [sflag:s28], $0x3800  }
0x252: {  	[sflag:s28] =	ssyncset.done $0x0  }
0x253: {  	s31 =	sadd.s32 $0x1, s31;
	[sflag:s28] =	ssyncadd.s32 $0xFFFFC800  }
0x254: {  	[hbm4b:s9+s3] =	stream.linear.scatter [tilespmem:s17], [sflag:$0x4], $0xA800, $0x38;
	[tilespmem:$0x1A700] =	vst v63  }
0x255: {  	p0 =	sne.s32 s31, s10;
	_ =	swait.ge [sflag:s29], $0xA800  }
.Ltmp1:
0x256: {  	[sflag:s29] =	ssyncset.done $0x0;
	(pc) =	sbr.rel @p0 .LBB2_1-.Ltmp1, $4  }
0x257: {  	[sflag:s29] =	ssyncadd.s32 $0xFFFF5800  }
0x258: {  	_ =	swait.ge [sflag:s30], $0xA800  }
0x259: {  	[sflag:s30] =	ssyncset.done $0x0  }
0x25a: {  	[sflag:s30] =	ssyncadd.s32 $0xFFFF5800  }
0x25b: {  	_ =	sfence.sel $0x180000  }
0x25c: {  	[bflag:$0x0] =	sbarrier.arrive $0xFFFF  }
0x25d: {  	_ =	strace $0x90000047  }
0x25e: {  	s0 =	stileid.u32;
	[bflag:$0x2] =	sbarrier.arrive $0xFFFF  }
0x25f: {  	p0 =	sne.s32 s0, $0x0;
	s0 =	rddreg [dreg:$0x3]  }
0x260: {  	s0 =	sadd.s32 @!p0 $0x100000, s0  }
0x261: {  	[sflag:s0] =	ssyncadd.tile.s32 @!p0 $0x1;
	_ =	shalt  }
.Lfunc_end2:
_tile_overlayer_lowered:
.L_overlay_start_2:
0x262: {  	(tag) =	ssettag $0x2  }
0x263: {  	s0 =	rddreg [dreg:$0x0];
	s2 =	stileid.u32  }
0x264: {  	s1 =	rddreg [dreg:$0x1];
	p0 =	sne.s32 s2, $0x0  }
0x265: {  	s3 =	rddreg [dreg:$0x2];
	[bflag:$0x3] =	sbarrier.arrive $0xFFFF;
	s2 =	simm.s32 @!p0 $0x1C05  }
0x266: {  	[timem:s3], [sflag:s2] =	dma.local @!p0 [hbm:s0], s1  }
0x267: {  	s0 =	simm.s32 @!p0 $0x5  }
0x268: {  	_ =	swait.ge @!p0 [sflag:s0], s1  }
0x269: {  	s1 =	ssub.s32 @!p0 $0x0, s1;
	[sflag:s0] =	ssyncset.done @!p0 $0x0  }
0x26a: {  	[sflag:s0] =	ssyncadd.s32 @!p0 s1  }
0x26b: {  	[bflag:$0x3] =	sbarrier.arrive $0xFFFF  }
0x26c: {  	_ =	shalt  }

</sc_bundles>
